<compile_context>
chip_gen: v7x
topology: tpu7x:2x2x1
jax: 0.10.2.dev20260603
libtpu: 0.0.44.dev20260713+nightly
codegen_flags: <defaults>
</compile_context>

<pallas_src>
import functools

import jax
import jax.numpy as jnp
import numpy as np
from jax import lax
from jax.experimental import pallas as pl
from jax.experimental.pallas import tpu as pltpu
from jax.experimental.pallas import tpu_sc as plsc

N = 10000
E = 320000
C = 128
T = 7
NC, NS = 2, 16
NW = NC * NS
EPW = E // NW
CHUNK = 80
NCHUNK = EPW // CHUNK
NROWC = N // CHUNK
SCALE = 1.0 / (T * np.sqrt(float(C)))

_f32 = jnp.float32


_BN = 2000
_E2 = E // C


def _proj_body(x_ref, w_ref, ei_ref, typ_ref, y_ref, g_ref, r_ref):
    x = x_ref[...]
    for t in range(T):
        y_ref[t] = jnp.dot(x, w_ref[t], preferred_element_type=_f32) * SCALE

    @pl.when(pl.program_id(0) == 0)
    def _edge_lists():
        g_ref[...] = typ_ref[...] * N + ei_ref[1]
        r_ref[...] = ei_ref[0]


def _project(x, w3, ei3, typ2d):
    zero3 = lambda nb: (0, 0, 0)
    zero2 = lambda nb: (0, 0)
    return pl.pallas_call(
        _proj_body,
        grid=(N // _BN,),
        in_specs=[
            pl.BlockSpec((_BN, C), lambda nb: (nb, 0)),
            pl.BlockSpec((T, C, C), zero3),
            pl.BlockSpec((2, _E2, C), zero3),
            pl.BlockSpec((_E2, C), zero2),
        ],
        out_specs=[
            pl.BlockSpec((T, _BN, C), lambda nb: (0, nb, 0)),
            pl.BlockSpec((_E2, C), zero2),
            pl.BlockSpec((_E2, C), zero2),
        ],
        out_shape=(
            jax.ShapeDtypeStruct((T, N, C), _f32),
            jax.ShapeDtypeStruct((_E2, C), jnp.int32),
            jax.ShapeDtypeStruct((_E2, C), jnp.int32),
        ),
    )(x, w3, ei3, typ2d)


_mesh = plsc.VectorSubcoreMesh(core_axis_name="c", subcore_axis_name="s")


@functools.partial(
    pl.kernel,
    out_type=jax.ShapeDtypeStruct((NC, N, C), _f32),
    mesh=_mesh,
    scratch_types=[
        pltpu.VMEM((NCHUNK, CHUNK), jnp.int32),
        pltpu.VMEM((1, CHUNK), jnp.int32),
        pltpu.VMEM((1, CHUNK), jnp.int32),
        pltpu.VMEM((1, CHUNK), jnp.int32),
        pltpu.VMEM((CHUNK, C), _f32),
        pltpu.VMEM((CHUNK, C), _f32),
        pltpu.VMEM((CHUNK, C), _f32),
        pltpu.VMEM_SHARED((N, C), _f32),
        pltpu.SemaphoreType.DMA,
        pltpu.SemaphoreType.DMA,
        pltpu.SemaphoreType.DMA,
    ],
    compiler_params=pltpu.CompilerParams(use_tc_tiling_on_sc=False),
)
def _sc_aggregate(y_hbm, gidx_hbm, rows_hbm, out_hbm,
                  gidx_v, rb0, rb1, rb2, gb0, gb1, gb2, acc,
                  sem0, sem1, sem2):
    cid = lax.axis_index("c")
    sid = lax.axis_index("s")
    wid = sid * NC + cid
    rows_h = rows_hbm.at[wid]

    pltpu.sync_copy(gidx_hbm.at[wid], gidx_v)

    zeros16 = jnp.zeros((16,), _f32)

    def _zrow(i, carry):
        for j in range(C // 16):
            gb0[i, pl.ds(j * 16, 16)] = zeros16
        return carry

    lax.fori_loop(0, CHUNK, _zrow, 0)
    for i in range(pl.cdiv(NROWC, NS)):
        zc = i * NS + sid

        @pl.when(zc < NROWC)
        def _zero_chunk():
            off = pl.multiple_of(zc * CHUNK, CHUNK)
            pltpu.sync_copy(gb0, acc.at[pl.ds(off, CHUNK)])

    plsc.subcore_barrier()

    bufs = ((gb0, rb0, sem0), (gb1, rb1, sem1), (gb2, rb2, sem2))

    def _start(k, c):
        gb, rb, sem = bufs[k]
        pltpu.async_copy(y_hbm.at[gidx_v.at[c]], gb, sem)
        pltpu.async_copy(rows_h.at[pl.ds(c, 1)], rb, sem)

    def _finish(k, c):
        gb, rb, sem = bufs[k]
        pltpu.make_async_copy(y_hbm.at[gidx_v.at[c]], gb, sem).wait()
        pltpu.make_async_copy(rows_h.at[pl.ds(c, 1)], rb, sem).wait()
        pltpu.sync_copy(gb, acc.at[rb.at[0]], add=True)

    _start(0, 0)
    _start(1, 1)
    _start(2, 2)

    def _body(j, carry):
        c = 3 * j
        _finish(0, c)
        _start(0, c + 3)
        _finish(1, c + 1)
        _start(1, c + 4)
        _finish(2, c + 2)
        _start(2, c + 5)
        return carry

    lax.fori_loop(0, (NCHUNK - 5) // 3, _body, 0)
    _finish(0, NCHUNK - 5)
    _start(0, NCHUNK - 2)
    _finish(1, NCHUNK - 4)
    _start(1, NCHUNK - 1)
    _finish(2, NCHUNK - 3)
    _finish(0, NCHUNK - 2)
    _finish(1, NCHUNK - 1)

    plsc.subcore_barrier()
    for i in range(pl.cdiv(NROWC, NS)):
        wc = i * NS + sid

        @pl.when(wc < NROWC)
        def _wb_chunk():
            off = pl.multiple_of(wc * CHUNK, CHUNK)
            pltpu.sync_copy(acc.at[pl.ds(off, CHUNK)],
                            out_hbm.at[cid, pl.ds(off, CHUNK)])


def _add_body(p_ref, o_ref):
    o_ref[...] = p_ref[0] + p_ref[1]


def _final_add(partials):
    return pl.pallas_call(
        _add_body,
        grid=(N // _BN,),
        in_specs=[pl.BlockSpec((NC, _BN, C), lambda i: (0, i, 0))],
        out_specs=pl.BlockSpec((_BN, C), lambda i: (i, 0)),
        out_shape=jax.ShapeDtypeStruct((N, C), _f32),
    )(partials)


def kernel(x, edge_index, edge_type, W):
    w3 = W.reshape(T, C, C)
    ei3 = edge_index.reshape(2, _E2, C)
    typ2d = edge_type.reshape(_E2, C)
    y, g2d, r2d = _project(x, w3, ei3, typ2d)
    gidx3 = g2d.reshape(NW, NCHUNK, CHUNK)
    rows3 = r2d.reshape(NW, NCHUNK, CHUNK)
    partials = _sc_aggregate(y.reshape(T * N, C), gidx3, rows3)
    return _final_add(partials)

# --- scband reference (transcript-rebuilt; emitter-appended) ---
"""Pipeline reference for scband-unet3-dmodel-28037546509039 (READ-ONLY COPY).

The authoritative reference and input builder live on the scoring server;
editing this copy changes nothing except your own understanding.
"""

import jax, jax.numpy as jnp
import numpy as np

N = 10000
E = 320000
C_IN = 128
C_OUT = 128
N_EDGE_TYPE = 7
AVG_DEGREE = 7


def setup_inputs(seed: int = 0) -> dict:
    key = jax.random.key(seed)
    k1, k2, k3, k4 = jax.random.split(key, 4)
    x = jax.random.normal(k1, (N, C_IN), dtype=jnp.float32)
    edge_index = jax.random.randint(k2, (2, E), 0, N, dtype=jnp.int32)
    edge_type = jax.random.randint(k3, (E,), 0, N_EDGE_TYPE, dtype=jnp.int32)
    # learned parameter: per-edge-type weight matrix, flattened as in ognn GraphConv
    fan = N_EDGE_TYPE * C_IN
    W = jax.random.normal(k4, (fan, C_OUT), dtype=jnp.float32) * (1.0 / np.sqrt(fan))
    return {"x": x, "edge_index": edge_index, "edge_type": edge_type, "W": W}


def reference(x, edge_index, edge_type, W):
    # Dual-octree GraphConv message passing (core op of UNet3DModel's GraphResBlock):
    # 1) gather source-node features along edges
    # 2) scatter-add them into per-(dst-node, edge-type) slots
    # 3) dense projection with the per-edge-type weights, normalized by avg degree
    row = edge_index[0]
    col = edge_index[1]
    index = row * N_EDGE_TYPE + edge_type  # [E]
    gathered = jnp.take(x, col, axis=0)    # [E, C_IN] gather
    acc = jnp.zeros((N * N_EDGE_TYPE, C_IN), dtype=x.dtype)
    acc = acc.at[index].add(gathered)      # scatter-add
    acc = acc.reshape(N, N_EDGE_TYPE * C_IN)
    out = acc @ W                          # [N, C_OUT]
    out = out / (AVG_DEGREE * jnp.sqrt(jnp.asarray(C_IN, dtype=x.dtype)))
    return out

if __name__ == "__main__":
    import jax
    _d = setup_inputs()
    print(jax.jit(kernel)(*tuple(_d.values())))

</pallas_src>

<mosaic_0001>
#map = affine_map<(d0, d1) -> (0, 0)>
#map1 = affine_map<(d0, d1) -> (0, 0, 0)>
module attributes {stable_mosaic.version = 14 : i64} {
  func.func @_sc_aggregate(%arg0: i32, %arg1: i32, %arg2: memref<70000x128xf32, #tpu.memory_space<hbm>>, %arg3: memref<32x125x80xi32, #tpu.memory_space<hbm>>, %arg4: memref<32x125x80xi32, #tpu.memory_space<hbm>>, %arg5: memref<2x10000x128xf32, #tpu.memory_space<hbm>>, %arg6: memref<125x80xi32, #tpu.memory_space<vmem>>, %arg7: memref<1x80xi32, #tpu.memory_space<vmem>>, %arg8: memref<1x80xi32, #tpu.memory_space<vmem>>, %arg9: memref<1x80xi32, #tpu.memory_space<vmem>>, %arg10: memref<80x128xf32, #tpu.memory_space<vmem>>, %arg11: memref<80x128xf32, #tpu.memory_space<vmem>>, %arg12: memref<80x128xf32, #tpu.memory_space<vmem>>, %arg13: memref<10000x128xf32, #tpu.memory_space<vmem_shared>>, %arg14: memref<!tpu.dma_semaphore, #tpu.memory_space<semaphore_mem>>, %arg15: memref<!tpu.dma_semaphore, #tpu.memory_space<semaphore_mem>>, %arg16: memref<!tpu.dma_semaphore, #tpu.memory_space<semaphore_mem>>) attributes {dimension_semantics = [#tpu.dimension_semantics<core_parallel>, #tpu.dimension_semantics<subcore_parallel>], iteration_bounds = array<i64: 2, 16>, scalar_prefetch = 0 : i64, scratch_operands = 11 : i64, tpu.core_type = #tpu.core_type<sc_vector_subcore>, window_params = [{transform_indices = #map}, {transform_indices = #map1}, {transform_indices = #map1}, {transform_indices = #map1}]} {
    %mul3A = arith.constant 2 : i32
    %mul3A_0 = arith.muli %arg1, %mul3A : i32
    %add3A = arith.addi %mul3A_0, %arg0 : i32
    "tpu.region"() ({
      %run_scoped3A_335 = tpu.sem_alloc : memref<!tpu.dma_semaphore, #tpu.memory_space<semaphore_mem>>
      %dma_start3A_336 = arith.constant 0 : i32
      %dma_start3A_337 = arith.constant 0 : i32
      %dma_start3A_338 = tpu.memref_slice %arg3[%add3A, %dma_start3A_336, %dma_start3A_337] : memref<32x125x80xi32, #tpu.memory_space<hbm>> -> memref<1x125x80xi32, #tpu.memory_space<hbm>>
      %dma_start3A_339 = tpu.memref_squeeze %dma_start3A_338 : memref<1x125x80xi32, #tpu.memory_space<hbm>> -> memref<125x80xi32, #tpu.memory_space<hbm>>
      %dma_start3A_340 = arith.constant 0 : i32
      %dma_start3A_341 = arith.constant 0 : i32
      %dma_start3A_342 = tpu.memref_slice %arg3[%add3A, %dma_start3A_340, %dma_start3A_341] : memref<32x125x80xi32, #tpu.memory_space<hbm>> -> memref<1x125x80xi32, #tpu.memory_space<hbm>>
      %dma_start3A_343 = tpu.memref_squeeze %dma_start3A_342 : memref<1x125x80xi32, #tpu.memory_space<hbm>> -> memref<125x80xi32, #tpu.memory_space<hbm>>
      tpu.enqueue_dma source(%dma_start3A_343 : memref<125x80xi32, #tpu.memory_space<hbm>>) target(%arg6 : memref<125x80xi32, #tpu.memory_space<vmem>>) target_semaphore(%run_scoped3A_335 : memref<!tpu.dma_semaphore, #tpu.memory_space<semaphore_mem>>)
      %dma_wait3A_344 = arith.constant 0 : i32
      %dma_wait3A_345 = arith.constant 0 : i32
      %dma_wait3A_346 = tpu.memref_slice %arg3[%add3A, %dma_wait3A_344, %dma_wait3A_345] : memref<32x125x80xi32, #tpu.memory_space<hbm>> -> memref<1x125x80xi32, #tpu.memory_space<hbm>>
      %dma_wait3A_347 = tpu.memref_squeeze %dma_wait3A_346 : memref<1x125x80xi32, #tpu.memory_space<hbm>> -> memref<125x80xi32, #tpu.memory_space<hbm>>
      %dma_wait3A_348 = arith.constant 0 : i32
      %dma_wait3A_349 = arith.constant 0 : i32
      %dma_wait3A_350 = tpu.memref_slice %arg3[%add3A, %dma_wait3A_348, %dma_wait3A_349] : memref<32x125x80xi32, #tpu.memory_space<hbm>> -> memref<1x125x80xi32, #tpu.memory_space<hbm>>
      %dma_wait3A_351 = tpu.memref_squeeze %dma_wait3A_350 : memref<1x125x80xi32, #tpu.memory_space<hbm>> -> memref<125x80xi32, #tpu.memory_space<hbm>>
      tpu.wait_dma2 semaphore(%run_scoped3A_335 : memref<!tpu.dma_semaphore, #tpu.memory_space<semaphore_mem>>) src(%dma_wait3A_351 : memref<125x80xi32, #tpu.memory_space<hbm>>) dst(%arg6 : memref<125x80xi32, #tpu.memory_space<vmem>>)
      tpu.yield
    }) : () -> ()
    %broadcast_in_dim3A = arith.constant 0.000000e+00 : f32
    %broadcast_in_dim3A_1 = vector.broadcast %broadcast_in_dim3A : f32 to vector<16xf32>
    %scan3A = arith.constant 0 : i32
    %scan3A_2 = arith.constant 0 : i32
    %scan3A_3 = arith.constant 80 : i32
    %scan3A_4 = arith.addi %scan3A_2, %scan3A_3 : i32
    %scan3A_5 = arith.constant 1 : i32
    scf.for %scan3A_335 = %scan3A_2 to %scan3A_4 step %scan3A_5  : i32 {
      %swap3A = arith.index_cast %scan3A_335 : i32 to index
      %swap3A_336 = arith.constant 0 : index
      %swap3A_337 = tpu.vector_load %arg10[%swap3A, %swap3A_336] {strides = array<i32>} : memref<80x128xf32, #tpu.memory_space<vmem>>, vector<1x16xf32>,
      %swap3A_338 = vector.shape_cast %swap3A_337 : vector<1x16xf32> to vector<16xf32>
      %swap3A_339 = vector.shape_cast %broadcast_in_dim3A_1 : vector<16xf32> to vector<1x16xf32>
      tpu.vector_store %arg10[%swap3A, %swap3A_336], %swap3A_339 {strides = array<i32>} : memref<80x128xf32, #tpu.memory_space<vmem>>, vector<1x16xf32>,
      %swap3A_340 = arith.index_cast %scan3A_335 : i32 to index
      %swap3A_341 = arith.constant 16 : index
      %swap3A_342 = tpu.vector_load %arg10[%swap3A_340, %swap3A_341] {strides = array<i32>} : memref<80x128xf32, #tpu.memory_space<vmem>>, vector<1x16xf32>,
      %swap3A_343 = vector.shape_cast %swap3A_342 : vector<1x16xf32> to vector<16xf32>
      %swap3A_344 = vector.shape_cast %broadcast_in_dim3A_1 : vector<16xf32> to vector<1x16xf32>
      tpu.vector_store %arg10[%swap3A_340, %swap3A_341], %swap3A_344 {strides = array<i32>} : memref<80x128xf32, #tpu.memory_space<vmem>>, vector<1x16xf32>,
      %swap3A_345 = arith.index_cast %scan3A_335 : i32 to index
      %swap3A_346 = arith.constant 32 : index
      %swap3A_347 = tpu.vector_load %arg10[%swap3A_345, %swap3A_346] {strides = array<i32>} : memref<80x128xf32, #tpu.memory_space<vmem>>, vector<1x16xf32>,
      %swap3A_348 = vector.shape_cast %swap3A_347 : vector<1x16xf32> to vector<16xf32>
      %swap3A_349 = vector.shape_cast %broadcast_in_dim3A_1 : vector<16xf32> to vector<1x16xf32>
      tpu.vector_store %arg10[%swap3A_345, %swap3A_346], %swap3A_349 {strides = array<i32>} : memref<80x128xf32, #tpu.memory_space<vmem>>, vector<1x16xf32>,
      %swap3A_350 = arith.index_cast %scan3A_335 : i32 to index
      %swap3A_351 = arith.constant 48 : index
      %swap3A_352 = tpu.vector_load %arg10[%swap3A_350, %swap3A_351] {strides = array<i32>} : memref<80x128xf32, #tpu.memory_space<vmem>>, vector<1x16xf32>,
      %swap3A_353 = vector.shape_cast %swap3A_352 : vector<1x16xf32> to vector<16xf32>
      %swap3A_354 = vector.shape_cast %broadcast_in_dim3A_1 : vector<16xf32> to vector<1x16xf32>
      tpu.vector_store %arg10[%swap3A_350, %swap3A_351], %swap3A_354 {strides = array<i32>} : memref<80x128xf32, #tpu.memory_space<vmem>>, vector<1x16xf32>,
      %swap3A_355 = arith.index_cast %scan3A_335 : i32 to index
      %swap3A_356 = arith.constant 64 : index
      %swap3A_357 = tpu.vector_load %arg10[%swap3A_355, %swap3A_356] {strides = array<i32>} : memref<80x128xf32, #tpu.memory_space<vmem>>, vector<1x16xf32>,
      %swap3A_358 = vector.shape_cast %swap3A_357 : vector<1x16xf32> to vector<16xf32>
      %swap3A_359 = vector.shape_cast %broadcast_in_dim3A_1 : vector<16xf32> to vector<1x16xf32>
      tpu.vector_store %arg10[%swap3A_355, %swap3A_356], %swap3A_359 {strides = array<i32>} : memref<80x128xf32, #tpu.memory_space<vmem>>, vector<1x16xf32>,
      %swap3A_360 = arith.index_cast %scan3A_335 : i32 to index
      %swap3A_361 = arith.constant 80 : index
      %swap3A_362 = tpu.vector_load %arg10[%swap3A_360, %swap3A_361] {strides = array<i32>} : memref<80x128xf32, #tpu.memory_space<vmem>>, vector<1x16xf32>,
      %swap3A_363 = vector.shape_cast %swap3A_362 : vector<1x16xf32> to vector<16xf32>
      %swap3A_364 = vector.shape_cast %broadcast_in_dim3A_1 : vector<16xf32> to vector<1x16xf32>
      tpu.vector_store %arg10[%swap3A_360, %swap3A_361], %swap3A_364 {strides = array<i32>} : memref<80x128xf32, #tpu.memory_space<vmem>>, vector<1x16xf32>,
      %swap3A_365 = arith.index_cast %scan3A_335 : i32 to index
      %swap3A_366 = arith.constant 96 : index
      %swap3A_367 = tpu.vector_load %arg10[%swap3A_365, %swap3A_366] {strides = array<i32>} : memref<80x128xf32, #tpu.memory_space<vmem>>, vector<1x16xf32>,
      %swap3A_368 = vector.shape_cast %swap3A_367 : vector<1x16xf32> to vector<16xf32>
      %swap3A_369 = vector.shape_cast %broadcast_in_dim3A_1 : vector<16xf32> to vector<1x16xf32>
      tpu.vector_store %arg10[%swap3A_365, %swap3A_366], %swap3A_369 {strides = array<i32>} : memref<80x128xf32, #tpu.memory_space<vmem>>, vector<1x16xf32>,
      %swap3A_370 = arith.index_cast %scan3A_335 : i32 to index
      %swap3A_371 = arith.constant 112 : index
      %swap3A_372 = tpu.vector_load %arg10[%swap3A_370, %swap3A_371] {strides = array<i32>} : memref<80x128xf32, #tpu.memory_space<vmem>>, vector<1x16xf32>,
      %swap3A_373 = vector.shape_cast %swap3A_372 : vector<1x16xf32> to vector<16xf32>
      %swap3A_374 = vector.shape_cast %broadcast_in_dim3A_1 : vector<16xf32> to vector<1x16xf32>
      tpu.vector_store %arg10[%swap3A_370, %swap3A_371], %swap3A_374 {strides = array<i32>} : memref<80x128xf32, #tpu.memory_space<vmem>>, vector<1x16xf32>,
    }
    %scan3A_6 = arith.constant 80 : i32
    %add3A_7 = arith.constant 0 : i32
    %add3A_8 = arith.addi %add3A_7, %arg1 : i32
    %lt3A = arith.constant 125 : i32
    %lt3A_9 = arith.cmpi slt, %add3A_8, %lt3A : i32
    %convert_element_type3A = arith.extui %lt3A_9 : i1 to i32
    %cond3A = arith.constant 0 : i32
    %cond3A_10 = arith.cmpi ne, %convert_element_type3A, %cond3A : i32
    scf.if %cond3A_10 {
      %mul3A_335 = arith.constant 80 : i32
      %mul3A_336 = arith.muli %add3A_8, %mul3A_335 : i32
      %multiple_of3A = tpu.assume_multiple %mul3A_336, 80 : i32
      "tpu.region"() ({
        %run_scoped3A_337 = tpu.sem_alloc : memref<!tpu.dma_semaphore, #tpu.memory_space<semaphore_mem>>
        %dma_start3A_338 = arith.constant 0 : i32
        %dma_start3A_339 = tpu.memref_slice %arg13[%multiple_of3A, %dma_start3A_338] : memref<10000x128xf32, #tpu.memory_space<vmem_shared>> -> memref<80x128xf32, #tpu.memory_space<vmem_shared>>
        %dma_start3A_340 = arith.constant 0 : i32
        %dma_start3A_341 = tpu.memref_slice %arg13[%multiple_of3A, %dma_start3A_340] : memref<10000x128xf32, #tpu.memory_space<vmem_shared>> -> memref<80x128xf32, #tpu.memory_space<vmem_shared>>
        tpu.enqueue_dma source(%arg10 : memref<80x128xf32, #tpu.memory_space<vmem>>) target(%dma_start3A_341 : memref<80x128xf32, #tpu.memory_space<vmem_shared>>) target_semaphore(%run_scoped3A_337 : memref<!tpu.dma_semaphore, #tpu.memory_space<semaphore_mem>>)
        %dma_wait3A_342 = arith.constant 0 : i32
        %dma_wait3A_343 = tpu.memref_slice %arg13[%multiple_of3A, %dma_wait3A_342] : memref<10000x128xf32, #tpu.memory_space<vmem_shared>> -> memref<80x128xf32, #tpu.memory_space<vmem_shared>>
        %dma_wait3A_344 = arith.constant 0 : i32
        %dma_wait3A_345 = tpu.memref_slice %arg13[%multiple_of3A, %dma_wait3A_344] : memref<10000x128xf32, #tpu.memory_space<vmem_shared>> -> memref<80x128xf32, #tpu.memory_space<vmem_shared>>
        tpu.wait_dma2 semaphore(%run_scoped3A_337 : memref<!tpu.dma_semaphore, #tpu.memory_space<semaphore_mem>>) src(%arg10 : memref<80x128xf32, #tpu.memory_space<vmem>>) dst(%dma_wait3A_345 : memref<80x128xf32, #tpu.memory_space<vmem_shared>>)
        tpu.yield
      }) : () -> ()
    } else {
    }
    %add3A_11 = arith.constant 16 : i32
    %add3A_12 = arith.addi %add3A_11, %arg1 : i32
    %lt3A_13 = arith.constant 125 : i32
    %lt3A_14 = arith.cmpi slt, %add3A_12, %lt3A_13 : i32
    %convert_element_type3A_15 = arith.extui %lt3A_14 : i1 to i32
    %cond3A_16 = arith.constant 0 : i32
    %cond3A_17 = arith.cmpi ne, %convert_element_type3A_15, %cond3A_16 : i32
    scf.if %cond3A_17 {
      %mul3A_335 = arith.constant 80 : i32
      %mul3A_336 = arith.muli %add3A_12, %mul3A_335 : i32
      %multiple_of3A = tpu.assume_multiple %mul3A_336, 80 : i32
      "tpu.region"() ({
        %run_scoped3A_337 = tpu.sem_alloc : memref<!tpu.dma_semaphore, #tpu.memory_space<semaphore_mem>>
        %dma_start3A_338 = arith.constant 0 : i32
        %dma_start3A_339 = tpu.memref_slice %arg13[%multiple_of3A, %dma_start3A_338] : memref<10000x128xf32, #tpu.memory_space<vmem_shared>> -> memref<80x128xf32, #tpu.memory_space<vmem_shared>>
        %dma_start3A_340 = arith.constant 0 : i32
        %dma_start3A_341 = tpu.memref_slice %arg13[%multiple_of3A, %dma_start3A_340] : memref<10000x128xf32, #tpu.memory_space<vmem_shared>> -> memref<80x128xf32, #tpu.memory_space<vmem_shared>>
        tpu.enqueue_dma source(%arg10 : memref<80x128xf32, #tpu.memory_space<vmem>>) target(%dma_start3A_341 : memref<80x128xf32, #tpu.memory_space<vmem_shared>>) target_semaphore(%run_scoped3A_337 : memref<!tpu.dma_semaphore, #tpu.memory_space<semaphore_mem>>)
        %dma_wait3A_342 = arith.constant 0 : i32
        %dma_wait3A_343 = tpu.memref_slice %arg13[%multiple_of3A, %dma_wait3A_342] : memref<10000x128xf32, #tpu.memory_space<vmem_shared>> -> memref<80x128xf32, #tpu.memory_space<vmem_shared>>
        %dma_wait3A_344 = arith.constant 0 : i32
        %dma_wait3A_345 = tpu.memref_slice %arg13[%multiple_of3A, %dma_wait3A_344] : memref<10000x128xf32, #tpu.memory_space<vmem_shared>> -> memref<80x128xf32, #tpu.memory_space<vmem_shared>>
        tpu.wait_dma2 semaphore(%run_scoped3A_337 : memref<!tpu.dma_semaphore, #tpu.memory_space<semaphore_mem>>) src(%arg10 : memref<80x128xf32, #tpu.memory_space<vmem>>) dst(%dma_wait3A_345 : memref<80x128xf32, #tpu.memory_space<vmem_shared>>)
        tpu.yield
      }) : () -> ()
    } else {
    }
    %add3A_18 = arith.constant 32 : i32
    %add3A_19 = arith.addi %add3A_18, %arg1 : i32
    %lt3A_20 = arith.constant 125 : i32
    %lt3A_21 = arith.cmpi slt, %add3A_19, %lt3A_20 : i32
    %convert_element_type3A_22 = arith.extui %lt3A_21 : i1 to i32
    %cond3A_23 = arith.constant 0 : i32
    %cond3A_24 = arith.cmpi ne, %convert_element_type3A_22, %cond3A_23 : i32
    scf.if %cond3A_24 {
      %mul3A_335 = arith.constant 80 : i32
      %mul3A_336 = arith.muli %add3A_19, %mul3A_335 : i32
      %multiple_of3A = tpu.assume_multiple %mul3A_336, 80 : i32
      "tpu.region"() ({
        %run_scoped3A_337 = tpu.sem_alloc : memref<!tpu.dma_semaphore, #tpu.memory_space<semaphore_mem>>
        %dma_start3A_338 = arith.constant 0 : i32
        %dma_start3A_339 = tpu.memref_slice %arg13[%multiple_of3A, %dma_start3A_338] : memref<10000x128xf32, #tpu.memory_space<vmem_shared>> -> memref<80x128xf32, #tpu.memory_space<vmem_shared>>
        %dma_start3A_340 = arith.constant 0 : i32
        %dma_start3A_341 = tpu.memref_slice %arg13[%multiple_of3A, %dma_start3A_340] : memref<10000x128xf32, #tpu.memory_space<vmem_shared>> -> memref<80x128xf32, #tpu.memory_space<vmem_shared>>
        tpu.enqueue_dma source(%arg10 : memref<80x128xf32, #tpu.memory_space<vmem>>) target(%dma_start3A_341 : memref<80x128xf32, #tpu.memory_space<vmem_shared>>) target_semaphore(%run_scoped3A_337 : memref<!tpu.dma_semaphore, #tpu.memory_space<semaphore_mem>>)
        %dma_wait3A_342 = arith.constant 0 : i32
        %dma_wait3A_343 = tpu.memref_slice %arg13[%multiple_of3A, %dma_wait3A_342] : memref<10000x128xf32, #tpu.memory_space<vmem_shared>> -> memref<80x128xf32, #tpu.memory_space<vmem_shared>>
        %dma_wait3A_344 = arith.constant 0 : i32
        %dma_wait3A_345 = tpu.memref_slice %arg13[%multiple_of3A, %dma_wait3A_344] : memref<10000x128xf32, #tpu.memory_space<vmem_shared>> -> memref<80x128xf32, #tpu.memory_space<vmem_shared>>
        tpu.wait_dma2 semaphore(%run_scoped3A_337 : memref<!tpu.dma_semaphore, #tpu.memory_space<semaphore_mem>>) src(%arg10 : memref<80x128xf32, #tpu.memory_space<vmem>>) dst(%dma_wait3A_345 : memref<80x128xf32, #tpu.memory_space<vmem_shared>>)
        tpu.yield
      }) : () -> ()
    } else {
    }
    %add3A_25 = arith.constant 48 : i32
    %add3A_26 = arith.addi %add3A_25, %arg1 : i32
    %lt3A_27 = arith.constant 125 : i32
    %lt3A_28 = arith.cmpi slt, %add3A_26, %lt3A_27 : i32
    %convert_element_type3A_29 = arith.extui %lt3A_28 : i1 to i32
    %cond3A_30 = arith.constant 0 : i32
    %cond3A_31 = arith.cmpi ne, %convert_element_type3A_29, %cond3A_30 : i32
    scf.if %cond3A_31 {
      %mul3A_335 = arith.constant 80 : i32
      %mul3A_336 = arith.muli %add3A_26, %mul3A_335 : i32
      %multiple_of3A = tpu.assume_multiple %mul3A_336, 80 : i32
      "tpu.region"() ({
        %run_scoped3A_337 = tpu.sem_alloc : memref<!tpu.dma_semaphore, #tpu.memory_space<semaphore_mem>>
        %dma_start3A_338 = arith.constant 0 : i32
        %dma_start3A_339 = tpu.memref_slice %arg13[%multiple_of3A, %dma_start3A_338] : memref<10000x128xf32, #tpu.memory_space<vmem_shared>> -> memref<80x128xf32, #tpu.memory_space<vmem_shared>>
        %dma_start3A_340 = arith.constant 0 : i32
        %dma_start3A_341 = tpu.memref_slice %arg13[%multiple_of3A, %dma_start3A_340] : memref<10000x128xf32, #tpu.memory_space<vmem_shared>> -> memref<80x128xf32, #tpu.memory_space<vmem_shared>>
        tpu.enqueue_dma source(%arg10 : memref<80x128xf32, #tpu.memory_space<vmem>>) target(%dma_start3A_341 : memref<80x128xf32, #tpu.memory_space<vmem_shared>>) target_semaphore(%run_scoped3A_337 : memref<!tpu.dma_semaphore, #tpu.memory_space<semaphore_mem>>)
        %dma_wait3A_342 = arith.constant 0 : i32
        %dma_wait3A_343 = tpu.memref_slice %arg13[%multiple_of3A, %dma_wait3A_342] : memref<10000x128xf32, #tpu.memory_space<vmem_shared>> -> memref<80x128xf32, #tpu.memory_space<vmem_shared>>
        %dma_wait3A_344 = arith.constant 0 : i32
        %dma_wait3A_345 = tpu.memref_slice %arg13[%multiple_of3A, %dma_wait3A_344] : memref<10000x128xf32, #tpu.memory_space<vmem_shared>> -> memref<80x128xf32, #tpu.memory_space<vmem_shared>>
        tpu.wait_dma2 semaphore(%run_scoped3A_337 : memref<!tpu.dma_semaphore, #tpu.memory_space<semaphore_mem>>) src(%arg10 : memref<80x128xf32, #tpu.memory_space<vmem>>) dst(%dma_wait3A_345 : memref<80x128xf32, #tpu.memory_space<vmem_shared>>)
        tpu.yield
      }) : () -> ()
    } else {
    }
    %add3A_32 = arith.constant 64 : i32
    %add3A_33 = arith.addi %add3A_32, %arg1 : i32
    %lt3A_34 = arith.constant 125 : i32
    %lt3A_35 = arith.cmpi slt, %add3A_33, %lt3A_34 : i32
    %convert_element_type3A_36 = arith.extui %lt3A_35 : i1 to i32
    %cond3A_37 = arith.constant 0 : i32
    %cond3A_38 = arith.cmpi ne, %convert_element_type3A_36, %cond3A_37 : i32
    scf.if %cond3A_38 {
      %mul3A_335 = arith.constant 80 : i32
      %mul3A_336 = arith.muli %add3A_33, %mul3A_335 : i32
      %multiple_of3A = tpu.assume_multiple %mul3A_336, 80 : i32
      "tpu.region"() ({
        %run_scoped3A_337 = tpu.sem_alloc : memref<!tpu.dma_semaphore, #tpu.memory_space<semaphore_mem>>
        %dma_start3A_338 = arith.constant 0 : i32
        %dma_start3A_339 = tpu.memref_slice %arg13[%multiple_of3A, %dma_start3A_338] : memref<10000x128xf32, #tpu.memory_space<vmem_shared>> -> memref<80x128xf32, #tpu.memory_space<vmem_shared>>
        %dma_start3A_340 = arith.constant 0 : i32
        %dma_start3A_341 = tpu.memref_slice %arg13[%multiple_of3A, %dma_start3A_340] : memref<10000x128xf32, #tpu.memory_space<vmem_shared>> -> memref<80x128xf32, #tpu.memory_space<vmem_shared>>
        tpu.enqueue_dma source(%arg10 : memref<80x128xf32, #tpu.memory_space<vmem>>) target(%dma_start3A_341 : memref<80x128xf32, #tpu.memory_space<vmem_shared>>) target_semaphore(%run_scoped3A_337 : memref<!tpu.dma_semaphore, #tpu.memory_space<semaphore_mem>>)
        %dma_wait3A_342 = arith.constant 0 : i32
        %dma_wait3A_343 = tpu.memref_slice %arg13[%multiple_of3A, %dma_wait3A_342] : memref<10000x128xf32, #tpu.memory_space<vmem_shared>> -> memref<80x128xf32, #tpu.memory_space<vmem_shared>>
        %dma_wait3A_344 = arith.constant 0 : i32
        %dma_wait3A_345 = tpu.memref_slice %arg13[%multiple_of3A, %dma_wait3A_344] : memref<10000x128xf32, #tpu.memory_space<vmem_shared>> -> memref<80x128xf32, #tpu.memory_space<vmem_shared>>
        tpu.wait_dma2 semaphore(%run_scoped3A_337 : memref<!tpu.dma_semaphore, #tpu.memory_space<semaphore_mem>>) src(%arg10 : memref<80x128xf32, #tpu.memory_space<vmem>>) dst(%dma_wait3A_345 : memref<80x128xf32, #tpu.memory_space<vmem_shared>>)
        tpu.yield
      }) : () -> ()
    } else {
    }
    %add3A_39 = arith.constant 80 : i32
    %add3A_40 = arith.addi %add3A_39, %arg1 : i32
    %lt3A_41 = arith.constant 125 : i32
    %lt3A_42 = arith.cmpi slt, %add3A_40, %lt3A_41 : i32
    %convert_element_type3A_43 = arith.extui %lt3A_42 : i1 to i32
    %cond3A_44 = arith.constant 0 : i32
    %cond3A_45 = arith.cmpi ne, %convert_element_type3A_43, %cond3A_44 : i32
    scf.if %cond3A_45 {
      %mul3A_335 = arith.constant 80 : i32
      %mul3A_336 = arith.muli %add3A_40, %mul3A_335 : i32
      %multiple_of3A = tpu.assume_multiple %mul3A_336, 80 : i32
      "tpu.region"() ({
        %run_scoped3A_337 = tpu.sem_alloc : memref<!tpu.dma_semaphore, #tpu.memory_space<semaphore_mem>>
        %dma_start3A_338 = arith.constant 0 : i32
        %dma_start3A_339 = tpu.memref_slice %arg13[%multiple_of3A, %dma_start3A_338] : memref<10000x128xf32, #tpu.memory_space<vmem_shared>> -> memref<80x128xf32, #tpu.memory_space<vmem_shared>>
        %dma_start3A_340 = arith.constant 0 : i32
        %dma_start3A_341 = tpu.memref_slice %arg13[%multiple_of3A, %dma_start3A_340] : memref<10000x128xf32, #tpu.memory_space<vmem_shared>> -> memref<80x128xf32, #tpu.memory_space<vmem_shared>>
        tpu.enqueue_dma source(%arg10 : memref<80x128xf32, #tpu.memory_space<vmem>>) target(%dma_start3A_341 : memref<80x128xf32, #tpu.memory_space<vmem_shared>>) target_semaphore(%run_scoped3A_337 : memref<!tpu.dma_semaphore, #tpu.memory_space<semaphore_mem>>)
        %dma_wait3A_342 = arith.constant 0 : i32
        %dma_wait3A_343 = tpu.memref_slice %arg13[%multiple_of3A, %dma_wait3A_342] : memref<10000x128xf32, #tpu.memory_space<vmem_shared>> -> memref<80x128xf32, #tpu.memory_space<vmem_shared>>
        %dma_wait3A_344 = arith.constant 0 : i32
        %dma_wait3A_345 = tpu.memref_slice %arg13[%multiple_of3A, %dma_wait3A_344] : memref<10000x128xf32, #tpu.memory_space<vmem_shared>> -> memref<80x128xf32, #tpu.memory_space<vmem_shared>>
        tpu.wait_dma2 semaphore(%run_scoped3A_337 : memref<!tpu.dma_semaphore, #tpu.memory_space<semaphore_mem>>) src(%arg10 : memref<80x128xf32, #tpu.memory_space<vmem>>) dst(%dma_wait3A_345 : memref<80x128xf32, #tpu.memory_space<vmem_shared>>)
        tpu.yield
      }) : () -> ()
    } else {
    }
    %add3A_46 = arith.constant 96 : i32
    %add3A_47 = arith.addi %add3A_46, %arg1 : i32
    %lt3A_48 = arith.constant 125 : i32
    %lt3A_49 = arith.cmpi slt, %add3A_47, %lt3A_48 : i32
    %convert_element_type3A_50 = arith.extui %lt3A_49 : i1 to i32
    %cond3A_51 = arith.constant 0 : i32
    %cond3A_52 = arith.cmpi ne, %convert_element_type3A_50, %cond3A_51 : i32
    scf.if %cond3A_52 {
      %mul3A_335 = arith.constant 80 : i32
      %mul3A_336 = arith.muli %add3A_47, %mul3A_335 : i32
      %multiple_of3A = tpu.assume_multiple %mul3A_336, 80 : i32
      "tpu.region"() ({
        %run_scoped3A_337 = tpu.sem_alloc : memref<!tpu.dma_semaphore, #tpu.memory_space<semaphore_mem>>
        %dma_start3A_338 = arith.constant 0 : i32
        %dma_start3A_339 = tpu.memref_slice %arg13[%multiple_of3A, %dma_start3A_338] : memref<10000x128xf32, #tpu.memory_space<vmem_shared>> -> memref<80x128xf32, #tpu.memory_space<vmem_shared>>
        %dma_start3A_340 = arith.constant 0 : i32
        %dma_start3A_341 = tpu.memref_slice %arg13[%multiple_of3A, %dma_start3A_340] : memref<10000x128xf32, #tpu.memory_space<vmem_shared>> -> memref<80x128xf32, #tpu.memory_space<vmem_shared>>
        tpu.enqueue_dma source(%arg10 : memref<80x128xf32, #tpu.memory_space<vmem>>) target(%dma_start3A_341 : memref<80x128xf32, #tpu.memory_space<vmem_shared>>) target_semaphore(%run_scoped3A_337 : memref<!tpu.dma_semaphore, #tpu.memory_space<semaphore_mem>>)
        %dma_wait3A_342 = arith.constant 0 : i32
        %dma_wait3A_343 = tpu.memref_slice %arg13[%multiple_of3A, %dma_wait3A_342] : memref<10000x128xf32, #tpu.memory_space<vmem_shared>> -> memref<80x128xf32, #tpu.memory_space<vmem_shared>>
        %dma_wait3A_344 = arith.constant 0 : i32
        %dma_wait3A_345 = tpu.memref_slice %arg13[%multiple_of3A, %dma_wait3A_344] : memref<10000x128xf32, #tpu.memory_space<vmem_shared>> -> memref<80x128xf32, #tpu.memory_space<vmem_shared>>
        tpu.wait_dma2 semaphore(%run_scoped3A_337 : memref<!tpu.dma_semaphore, #tpu.memory_space<semaphore_mem>>) src(%arg10 : memref<80x128xf32, #tpu.memory_space<vmem>>) dst(%dma_wait3A_345 : memref<80x128xf32, #tpu.memory_space<vmem_shared>>)
        tpu.yield
      }) : () -> ()
    } else {
    }
    %add3A_53 = arith.constant 112 : i32
    %add3A_54 = arith.addi %add3A_53, %arg1 : i32
    %lt3A_55 = arith.constant 125 : i32
    %lt3A_56 = arith.cmpi slt, %add3A_54, %lt3A_55 : i32
    %convert_element_type3A_57 = arith.extui %lt3A_56 : i1 to i32
    %cond3A_58 = arith.constant 0 : i32
    %cond3A_59 = arith.cmpi ne, %convert_element_type3A_57, %cond3A_58 : i32
    scf.if %cond3A_59 {
      %mul3A_335 = arith.constant 80 : i32
      %mul3A_336 = arith.muli %add3A_54, %mul3A_335 : i32
      %multiple_of3A = tpu.assume_multiple %mul3A_336, 80 : i32
      "tpu.region"() ({
        %run_scoped3A_337 = tpu.sem_alloc : memref<!tpu.dma_semaphore, #tpu.memory_space<semaphore_mem>>
        %dma_start3A_338 = arith.constant 0 : i32
        %dma_start3A_339 = tpu.memref_slice %arg13[%multiple_of3A, %dma_start3A_338] : memref<10000x128xf32, #tpu.memory_space<vmem_shared>> -> memref<80x128xf32, #tpu.memory_space<vmem_shared>>
        %dma_start3A_340 = arith.constant 0 : i32
        %dma_start3A_341 = tpu.memref_slice %arg13[%multiple_of3A, %dma_start3A_340] : memref<10000x128xf32, #tpu.memory_space<vmem_shared>> -> memref<80x128xf32, #tpu.memory_space<vmem_shared>>
        tpu.enqueue_dma source(%arg10 : memref<80x128xf32, #tpu.memory_space<vmem>>) target(%dma_start3A_341 : memref<80x128xf32, #tpu.memory_space<vmem_shared>>) target_semaphore(%run_scoped3A_337 : memref<!tpu.dma_semaphore, #tpu.memory_space<semaphore_mem>>)
        %dma_wait3A_342 = arith.constant 0 : i32
        %dma_wait3A_343 = tpu.memref_slice %arg13[%multiple_of3A, %dma_wait3A_342] : memref<10000x128xf32, #tpu.memory_space<vmem_shared>> -> memref<80x128xf32, #tpu.memory_space<vmem_shared>>
        %dma_wait3A_344 = arith.constant 0 : i32
        %dma_wait3A_345 = tpu.memref_slice %arg13[%multiple_of3A, %dma_wait3A_344] : memref<10000x128xf32, #tpu.memory_space<vmem_shared>> -> memref<80x128xf32, #tpu.memory_space<vmem_shared>>
        tpu.wait_dma2 semaphore(%run_scoped3A_337 : memref<!tpu.dma_semaphore, #tpu.memory_space<semaphore_mem>>) src(%arg10 : memref<80x128xf32, #tpu.memory_space<vmem>>) dst(%dma_wait3A_345 : memref<80x128xf32, #tpu.memory_space<vmem_shared>>)
        tpu.yield
      }) : () -> ()
    } else {
    }
    %barrier3A = arith.constant 0 : index
    tpu.barrier barrier_id(%barrier3A)
    %dma_start3A = arith.constant 0 : i32
    %dma_start3A_60 = arith.constant 0 : i32
    %dma_start3A_61 = tpu.memref_slice %arg6[%dma_start3A, %dma_start3A_60] : memref<125x80xi32, #tpu.memory_space<vmem>> -> memref<1x80xi32, #tpu.memory_space<vmem>>
    %dma_start3A_62 = tpu.memref_squeeze %dma_start3A_61 : memref<1x80xi32, #tpu.memory_space<vmem>> -> memref<80xi32, #tpu.memory_space<vmem>>
    %dma_start3A_63 = arith.constant 0 : i32
    %dma_start3A_64 = arith.constant 0 : i32
    %dma_start3A_65 = tpu.memref_slice %arg2[%dma_start3A_63, %dma_start3A_64] : memref<70000x128xf32, #tpu.memory_space<hbm>> -> memref<70000x128xf32, #tpu.memory_space<hbm>>
    tpu.enqueue_indirect_dma source(%dma_start3A_65 : memref<70000x128xf32, #tpu.memory_space<hbm>>) target(%arg10 : memref<80x128xf32, #tpu.memory_space<vmem>>) offsets(%dma_start3A_62 : memref<80xi32, #tpu.memory_space<vmem>>) semaphore(%arg14 : memref<!tpu.dma_semaphore, #tpu.memory_space<semaphore_mem>>)
    %dma_start3A_66 = arith.constant 0 : i32
    %dma_start3A_67 = arith.constant 0 : i32
    %dma_start3A_68 = tpu.memref_slice %arg4[%add3A, %dma_start3A_66, %dma_start3A_67] : memref<32x125x80xi32, #tpu.memory_space<hbm>> -> memref<1x125x80xi32, #tpu.memory_space<hbm>>
    %dma_start3A_69 = tpu.memref_squeeze %dma_start3A_68 : memref<1x125x80xi32, #tpu.memory_space<hbm>> -> memref<125x80xi32, #tpu.memory_space<hbm>>
    %dma_start3A_70 = arith.constant 0 : i32
    %dma_start3A_71 = arith.constant 0 : i32
    %dma_start3A_72 = tpu.memref_slice %dma_start3A_69[%dma_start3A_70, %dma_start3A_71] : memref<125x80xi32, #tpu.memory_space<hbm>> -> memref<1x80xi32, #tpu.memory_space<hbm>>
    %dma_start3A_73 = arith.constant 0 : i32
    %dma_start3A_74 = arith.constant 0 : i32
    %dma_start3A_75 = tpu.memref_slice %arg4[%add3A, %dma_start3A_73, %dma_start3A_74] : memref<32x125x80xi32, #tpu.memory_space<hbm>> -> memref<1x125x80xi32, #tpu.memory_space<hbm>>
    %dma_start3A_76 = tpu.memref_squeeze %dma_start3A_75 : memref<1x125x80xi32, #tpu.memory_space<hbm>> -> memref<125x80xi32, #tpu.memory_space<hbm>>
    %dma_start3A_77 = arith.constant 0 : i32
    %dma_start3A_78 = arith.constant 0 : i32
    %dma_start3A_79 = tpu.memref_slice %dma_start3A_76[%dma_start3A_77, %dma_start3A_78] : memref<125x80xi32, #tpu.memory_space<hbm>> -> memref<1x80xi32, #tpu.memory_space<hbm>>
    tpu.enqueue_dma source(%dma_start3A_79 : memref<1x80xi32, #tpu.memory_space<hbm>>) target(%arg7 : memref<1x80xi32, #tpu.memory_space<vmem>>) target_semaphore(%arg14 : memref<!tpu.dma_semaphore, #tpu.memory_space<semaphore_mem>>)
    %dma_start3A_80 = arith.constant 1 : i32
    %dma_start3A_81 = arith.constant 0 : i32
    %dma_start3A_82 = tpu.memref_slice %arg6[%dma_start3A_80, %dma_start3A_81] : memref<125x80xi32, #tpu.memory_space<vmem>> -> memref<1x80xi32, #tpu.memory_space<vmem>>
    %dma_start3A_83 = tpu.memref_squeeze %dma_start3A_82 : memref<1x80xi32, #tpu.memory_space<vmem>> -> memref<80xi32, #tpu.memory_space<vmem>>
    %dma_start3A_84 = arith.constant 0 : i32
    %dma_start3A_85 = arith.constant 0 : i32
    %dma_start3A_86 = tpu.memref_slice %arg2[%dma_start3A_84, %dma_start3A_85] : memref<70000x128xf32, #tpu.memory_space<hbm>> -> memref<70000x128xf32, #tpu.memory_space<hbm>>
    tpu.enqueue_indirect_dma source(%dma_start3A_86 : memref<70000x128xf32, #tpu.memory_space<hbm>>) target(%arg11 : memref<80x128xf32, #tpu.memory_space<vmem>>) offsets(%dma_start3A_83 : memref<80xi32, #tpu.memory_space<vmem>>) semaphore(%arg15 : memref<!tpu.dma_semaphore, #tpu.memory_space<semaphore_mem>>)
    %dma_start3A_87 = arith.constant 0 : i32
    %dma_start3A_88 = arith.constant 0 : i32
    %dma_start3A_89 = tpu.memref_slice %arg4[%add3A, %dma_start3A_87, %dma_start3A_88] : memref<32x125x80xi32, #tpu.memory_space<hbm>> -> memref<1x125x80xi32, #tpu.memory_space<hbm>>
    %dma_start3A_90 = tpu.memref_squeeze %dma_start3A_89 : memref<1x125x80xi32, #tpu.memory_space<hbm>> -> memref<125x80xi32, #tpu.memory_space<hbm>>
    %dma_start3A_91 = arith.constant 1 : i32
    %dma_start3A_92 = arith.constant 0 : i32
    %dma_start3A_93 = tpu.memref_slice %dma_start3A_90[%dma_start3A_91, %dma_start3A_92] : memref<125x80xi32, #tpu.memory_space<hbm>> -> memref<1x80xi32, #tpu.memory_space<hbm>>
    %dma_start3A_94 = arith.constant 0 : i32
    %dma_start3A_95 = arith.constant 0 : i32
    %dma_start3A_96 = tpu.memref_slice %arg4[%add3A, %dma_start3A_94, %dma_start3A_95] : memref<32x125x80xi32, #tpu.memory_space<hbm>> -> memref<1x125x80xi32, #tpu.memory_space<hbm>>
    %dma_start3A_97 = tpu.memref_squeeze %dma_start3A_96 : memref<1x125x80xi32, #tpu.memory_space<hbm>> -> memref<125x80xi32, #tpu.memory_space<hbm>>
    %dma_start3A_98 = arith.constant 1 : i32
    %dma_start3A_99 = arith.constant 0 : i32
    %dma_start3A_100 = tpu.memref_slice %dma_start3A_97[%dma_start3A_98, %dma_start3A_99] : memref<125x80xi32, #tpu.memory_space<hbm>> -> memref<1x80xi32, #tpu.memory_space<hbm>>
    tpu.enqueue_dma source(%dma_start3A_100 : memref<1x80xi32, #tpu.memory_space<hbm>>) target(%arg8 : memref<1x80xi32, #tpu.memory_space<vmem>>) target_semaphore(%arg15 : memref<!tpu.dma_semaphore, #tpu.memory_space<semaphore_mem>>)
    %dma_start3A_101 = arith.constant 2 : i32
    %dma_start3A_102 = arith.constant 0 : i32
    %dma_start3A_103 = tpu.memref_slice %arg6[%dma_start3A_101, %dma_start3A_102] : memref<125x80xi32, #tpu.memory_space<vmem>> -> memref<1x80xi32, #tpu.memory_space<vmem>>
    %dma_start3A_104 = tpu.memref_squeeze %dma_start3A_103 : memref<1x80xi32, #tpu.memory_space<vmem>> -> memref<80xi32, #tpu.memory_space<vmem>>
    %dma_start3A_105 = arith.constant 0 : i32
    %dma_start3A_106 = arith.constant 0 : i32
    %dma_start3A_107 = tpu.memref_slice %arg2[%dma_start3A_105, %dma_start3A_106] : memref<70000x128xf32, #tpu.memory_space<hbm>> -> memref<70000x128xf32, #tpu.memory_space<hbm>>
    tpu.enqueue_indirect_dma source(%dma_start3A_107 : memref<70000x128xf32, #tpu.memory_space<hbm>>) target(%arg12 : memref<80x128xf32, #tpu.memory_space<vmem>>) offsets(%dma_start3A_104 : memref<80xi32, #tpu.memory_space<vmem>>) semaphore(%arg16 : memref<!tpu.dma_semaphore, #tpu.memory_space<semaphore_mem>>)
    %dma_start3A_108 = arith.constant 0 : i32
    %dma_start3A_109 = arith.constant 0 : i32
    %dma_start3A_110 = tpu.memref_slice %arg4[%add3A, %dma_start3A_108, %dma_start3A_109] : memref<32x125x80xi32, #tpu.memory_space<hbm>> -> memref<1x125x80xi32, #tpu.memory_space<hbm>>
    %dma_start3A_111 = tpu.memref_squeeze %dma_start3A_110 : memref<1x125x80xi32, #tpu.memory_space<hbm>> -> memref<125x80xi32, #tpu.memory_space<hbm>>
    %dma_start3A_112 = arith.constant 2 : i32
    %dma_start3A_113 = arith.constant 0 : i32
    %dma_start3A_114 = tpu.memref_slice %dma_start3A_111[%dma_start3A_112, %dma_start3A_113] : memref<125x80xi32, #tpu.memory_space<hbm>> -> memref<1x80xi32, #tpu.memory_space<hbm>>
    %dma_start3A_115 = arith.constant 0 : i32
    %dma_start3A_116 = arith.constant 0 : i32
    %dma_start3A_117 = tpu.memref_slice %arg4[%add3A, %dma_start3A_115, %dma_start3A_116] : memref<32x125x80xi32, #tpu.memory_space<hbm>> -> memref<1x125x80xi32, #tpu.memory_space<hbm>>
    %dma_start3A_118 = tpu.memref_squeeze %dma_start3A_117 : memref<1x125x80xi32, #tpu.memory_space<hbm>> -> memref<125x80xi32, #tpu.memory_space<hbm>>
    %dma_start3A_119 = arith.constant 2 : i32
    %dma_start3A_120 = arith.constant 0 : i32
    %dma_start3A_121 = tpu.memref_slice %dma_start3A_118[%dma_start3A_119, %dma_start3A_120] : memref<125x80xi32, #tpu.memory_space<hbm>> -> memref<1x80xi32, #tpu.memory_space<hbm>>
    tpu.enqueue_dma source(%dma_start3A_121 : memref<1x80xi32, #tpu.memory_space<hbm>>) target(%arg9 : memref<1x80xi32, #tpu.memory_space<vmem>>) target_semaphore(%arg16 : memref<!tpu.dma_semaphore, #tpu.memory_space<semaphore_mem>>)
    %scan3A_122 = arith.constant 0 : i32
    %scan3A_123 = arith.constant 0 : i32
    %scan3A_124 = arith.constant 40 : i32
    %scan3A_125 = arith.addi %scan3A_123, %scan3A_124 : i32
    %scan3A_126 = arith.constant 1 : i32
    scf.for %scan3A_335 = %scan3A_123 to %scan3A_125 step %scan3A_126  : i32 {
      %mul3A_336 = arith.constant 3 : i32
      %mul3A_337 = arith.muli %mul3A_336, %scan3A_335 : i32
      %dma_wait3A_338 = arith.constant 0 : i32
      %dma_wait3A_339 = tpu.memref_slice %arg6[%mul3A_337, %dma_wait3A_338] : memref<125x80xi32, #tpu.memory_space<vmem>> -> memref<1x80xi32, #tpu.memory_space<vmem>>
      %dma_wait3A_340 = tpu.memref_squeeze %dma_wait3A_339 : memref<1x80xi32, #tpu.memory_space<vmem>> -> memref<80xi32, #tpu.memory_space<vmem>>
      %dma_wait3A_341 = arith.constant 0 : i32
      %dma_wait3A_342 = arith.constant 0 : i32
      %dma_wait3A_343 = tpu.memref_slice %arg2[%dma_wait3A_341, %dma_wait3A_342] : memref<70000x128xf32, #tpu.memory_space<hbm>> -> memref<70000x128xf32, #tpu.memory_space<hbm>>
      tpu.wait_indirect_dma semaphore(%arg14 : memref<!tpu.dma_semaphore, #tpu.memory_space<semaphore_mem>>) src(%dma_wait3A_343 : memref<70000x128xf32, #tpu.memory_space<hbm>>) dst(%arg10 : memref<80x128xf32, #tpu.memory_space<vmem>>)
      %dma_wait3A_344 = arith.constant 0 : i32
      %dma_wait3A_345 = arith.constant 0 : i32
      %dma_wait3A_346 = tpu.memref_slice %arg4[%add3A, %dma_wait3A_344, %dma_wait3A_345] : memref<32x125x80xi32, #tpu.memory_space<hbm>> -> memref<1x125x80xi32, #tpu.memory_space<hbm>>
      %dma_wait3A_347 = tpu.memref_squeeze %dma_wait3A_346 : memref<1x125x80xi32, #tpu.memory_space<hbm>> -> memref<125x80xi32, #tpu.memory_space<hbm>>
      %dma_wait3A_348 = arith.constant 0 : i32
      %dma_wait3A_349 = tpu.memref_slice %dma_wait3A_347[%mul3A_337, %dma_wait3A_348] : memref<125x80xi32, #tpu.memory_space<hbm>> -> memref<1x80xi32, #tpu.memory_space<hbm>>
      %dma_wait3A_350 = arith.constant 0 : i32
      %dma_wait3A_351 = arith.constant 0 : i32
      %dma_wait3A_352 = tpu.memref_slice %arg4[%add3A, %dma_wait3A_350, %dma_wait3A_351] : memref<32x125x80xi32, #tpu.memory_space<hbm>> -> memref<1x125x80xi32, #tpu.memory_space<hbm>>
      %dma_wait3A_353 = tpu.memref_squeeze %dma_wait3A_352 : memref<1x125x80xi32, #tpu.memory_space<hbm>> -> memref<125x80xi32, #tpu.memory_space<hbm>>
      %dma_wait3A_354 = arith.constant 0 : i32
      %dma_wait3A_355 = tpu.memref_slice %dma_wait3A_353[%mul3A_337, %dma_wait3A_354] : memref<125x80xi32, #tpu.memory_space<hbm>> -> memref<1x80xi32, #tpu.memory_space<hbm>>
      tpu.wait_dma2 semaphore(%arg14 : memref<!tpu.dma_semaphore, #tpu.memory_space<semaphore_mem>>) src(%dma_wait3A_355 : memref<1x80xi32, #tpu.memory_space<hbm>>) dst(%arg7 : memref<1x80xi32, #tpu.memory_space<vmem>>)
      %run_scoped3A_356 = arith.constant 0 : i32
      "tpu.region"() ({
        %run_scoped3A_459 = tpu.sem_alloc : memref<!tpu.dma_semaphore, #tpu.memory_space<semaphore_mem>>
        %dma_start3A_460 = arith.constant 0 : i32
        %dma_start3A_461 = tpu.memref_slice %arg7[%run_scoped3A_356, %dma_start3A_460] : memref<1x80xi32, #tpu.memory_space<vmem>> -> memref<1x80xi32, #tpu.memory_space<vmem>>
        %dma_start3A_462 = tpu.memref_squeeze %dma_start3A_461 : memref<1x80xi32, #tpu.memory_space<vmem>> -> memref<80xi32, #tpu.memory_space<vmem>>
        %dma_start3A_463 = arith.constant 0 : i32
        %dma_start3A_464 = arith.constant 0 : i32
        %dma_start3A_465 = tpu.memref_slice %arg13[%dma_start3A_463, %dma_start3A_464] : memref<10000x128xf32, #tpu.memory_space<vmem_shared>> -> memref<10000x128xf32, #tpu.memory_space<vmem_shared>>
        tpu.enqueue_indirect_dma source(%arg10 : memref<80x128xf32, #tpu.memory_space<vmem>>) target(%dma_start3A_465 : memref<10000x128xf32, #tpu.memory_space<vmem_shared>>) offsets(%dma_start3A_462 : memref<80xi32, #tpu.memory_space<vmem>>) semaphore(%run_scoped3A_459 : memref<!tpu.dma_semaphore, #tpu.memory_space<semaphore_mem>>) {add = true}
        %dma_wait3A_466 = arith.constant 0 : i32
        %dma_wait3A_467 = tpu.memref_slice %arg7[%run_scoped3A_356, %dma_wait3A_466] : memref<1x80xi32, #tpu.memory_space<vmem>> -> memref<1x80xi32, #tpu.memory_space<vmem>>
        %dma_wait3A_468 = tpu.memref_squeeze %dma_wait3A_467 : memref<1x80xi32, #tpu.memory_space<vmem>> -> memref<80xi32, #tpu.memory_space<vmem>>
        %dma_wait3A_469 = arith.constant 0 : i32
        %dma_wait3A_470 = arith.constant 0 : i32
        %dma_wait3A_471 = tpu.memref_slice %arg13[%dma_wait3A_469, %dma_wait3A_470] : memref<10000x128xf32, #tpu.memory_space<vmem_shared>> -> memref<10000x128xf32, #tpu.memory_space<vmem_shared>>
        tpu.wait_indirect_dma semaphore(%run_scoped3A_459 : memref<!tpu.dma_semaphore, #tpu.memory_space<semaphore_mem>>) src(%arg10 : memref<80x128xf32, #tpu.memory_space<vmem>>) dst(%dma_wait3A_471 : memref<10000x128xf32, #tpu.memory_space<vmem_shared>>)
        tpu.yield
      }) : () -> ()
      %add3A_357 = arith.constant 3 : i32
      %add3A_358 = arith.addi %mul3A_337, %add3A_357 : i32
      %dma_start3A_359 = arith.constant 0 : i32
      %dma_start3A_360 = tpu.memref_slice %arg6[%add3A_358, %dma_start3A_359] : memref<125x80xi32, #tpu.memory_space<vmem>> -> memref<1x80xi32, #tpu.memory_space<vmem>>
      %dma_start3A_361 = tpu.memref_squeeze %dma_start3A_360 : memref<1x80xi32, #tpu.memory_space<vmem>> -> memref<80xi32, #tpu.memory_space<vmem>>
      %dma_start3A_362 = arith.constant 0 : i32
      %dma_start3A_363 = arith.constant 0 : i32
      %dma_start3A_364 = tpu.memref_slice %arg2[%dma_start3A_362, %dma_start3A_363] : memref<70000x128xf32, #tpu.memory_space<hbm>> -> memref<70000x128xf32, #tpu.memory_space<hbm>>
      tpu.enqueue_indirect_dma source(%dma_start3A_364 : memref<70000x128xf32, #tpu.memory_space<hbm>>) target(%arg10 : memref<80x128xf32, #tpu.memory_space<vmem>>) offsets(%dma_start3A_361 : memref<80xi32, #tpu.memory_space<vmem>>) semaphore(%arg14 : memref<!tpu.dma_semaphore, #tpu.memory_space<semaphore_mem>>)
      %dma_start3A_365 = arith.constant 0 : i32
      %dma_start3A_366 = arith.constant 0 : i32
      %dma_start3A_367 = tpu.memref_slice %arg4[%add3A, %dma_start3A_365, %dma_start3A_366] : memref<32x125x80xi32, #tpu.memory_space<hbm>> -> memref<1x125x80xi32, #tpu.memory_space<hbm>>
      %dma_start3A_368 = tpu.memref_squeeze %dma_start3A_367 : memref<1x125x80xi32, #tpu.memory_space<hbm>> -> memref<125x80xi32, #tpu.memory_space<hbm>>
      %dma_start3A_369 = arith.constant 0 : i32
      %dma_start3A_370 = tpu.memref_slice %dma_start3A_368[%add3A_358, %dma_start3A_369] : memref<125x80xi32, #tpu.memory_space<hbm>> -> memref<1x80xi32, #tpu.memory_space<hbm>>
      %dma_start3A_371 = arith.constant 0 : i32
      %dma_start3A_372 = arith.constant 0 : i32
      %dma_start3A_373 = tpu.memref_slice %arg4[%add3A, %dma_start3A_371, %dma_start3A_372] : memref<32x125x80xi32, #tpu.memory_space<hbm>> -> memref<1x125x80xi32, #tpu.memory_space<hbm>>
      %dma_start3A_374 = tpu.memref_squeeze %dma_start3A_373 : memref<1x125x80xi32, #tpu.memory_space<hbm>> -> memref<125x80xi32, #tpu.memory_space<hbm>>
      %dma_start3A_375 = arith.constant 0 : i32
      %dma_start3A_376 = tpu.memref_slice %dma_start3A_374[%add3A_358, %dma_start3A_375] : memref<125x80xi32, #tpu.memory_space<hbm>> -> memref<1x80xi32, #tpu.memory_space<hbm>>
      tpu.enqueue_dma source(%dma_start3A_376 : memref<1x80xi32, #tpu.memory_space<hbm>>) target(%arg7 : memref<1x80xi32, #tpu.memory_space<vmem>>) target_semaphore(%arg14 : memref<!tpu.dma_semaphore, #tpu.memory_space<semaphore_mem>>)
      %add3A_377 = arith.constant 1 : i32
      %add3A_378 = arith.addi %mul3A_337, %add3A_377 : i32
      %dma_wait3A_379 = arith.constant 0 : i32
      %dma_wait3A_380 = tpu.memref_slice %arg6[%add3A_378, %dma_wait3A_379] : memref<125x80xi32, #tpu.memory_space<vmem>> -> memref<1x80xi32, #tpu.memory_space<vmem>>
      %dma_wait3A_381 = tpu.memref_squeeze %dma_wait3A_380 : memref<1x80xi32, #tpu.memory_space<vmem>> -> memref<80xi32, #tpu.memory_space<vmem>>
      %dma_wait3A_382 = arith.constant 0 : i32
      %dma_wait3A_383 = arith.constant 0 : i32
      %dma_wait3A_384 = tpu.memref_slice %arg2[%dma_wait3A_382, %dma_wait3A_383] : memref<70000x128xf32, #tpu.memory_space<hbm>> -> memref<70000x128xf32, #tpu.memory_space<hbm>>
      tpu.wait_indirect_dma semaphore(%arg15 : memref<!tpu.dma_semaphore, #tpu.memory_space<semaphore_mem>>) src(%dma_wait3A_384 : memref<70000x128xf32, #tpu.memory_space<hbm>>) dst(%arg11 : memref<80x128xf32, #tpu.memory_space<vmem>>)
      %dma_wait3A_385 = arith.constant 0 : i32
      %dma_wait3A_386 = arith.constant 0 : i32
      %dma_wait3A_387 = tpu.memref_slice %arg4[%add3A, %dma_wait3A_385, %dma_wait3A_386] : memref<32x125x80xi32, #tpu.memory_space<hbm>> -> memref<1x125x80xi32, #tpu.memory_space<hbm>>
      %dma_wait3A_388 = tpu.memref_squeeze %dma_wait3A_387 : memref<1x125x80xi32, #tpu.memory_space<hbm>> -> memref<125x80xi32, #tpu.memory_space<hbm>>
      %dma_wait3A_389 = arith.constant 0 : i32
      %dma_wait3A_390 = tpu.memref_slice %dma_wait3A_388[%add3A_378, %dma_wait3A_389] : memref<125x80xi32, #tpu.memory_space<hbm>> -> memref<1x80xi32, #tpu.memory_space<hbm>>
      %dma_wait3A_391 = arith.constant 0 : i32
      %dma_wait3A_392 = arith.constant 0 : i32
      %dma_wait3A_393 = tpu.memref_slice %arg4[%add3A, %dma_wait3A_391, %dma_wait3A_392] : memref<32x125x80xi32, #tpu.memory_space<hbm>> -> memref<1x125x80xi32, #tpu.memory_space<hbm>>
      %dma_wait3A_394 = tpu.memref_squeeze %dma_wait3A_393 : memref<1x125x80xi32, #tpu.memory_space<hbm>> -> memref<125x80xi32, #tpu.memory_space<hbm>>
      %dma_wait3A_395 = arith.constant 0 : i32
      %dma_wait3A_396 = tpu.memref_slice %dma_wait3A_394[%add3A_378, %dma_wait3A_395] : memref<125x80xi32, #tpu.memory_space<hbm>> -> memref<1x80xi32, #tpu.memory_space<hbm>>
      tpu.wait_dma2 semaphore(%arg15 : memref<!tpu.dma_semaphore, #tpu.memory_space<semaphore_mem>>) src(%dma_wait3A_396 : memref<1x80xi32, #tpu.memory_space<hbm>>) dst(%arg8 : memref<1x80xi32, #tpu.memory_space<vmem>>)
      %run_scoped3A_397 = arith.constant 0 : i32
      "tpu.region"() ({
        %run_scoped3A_459 = tpu.sem_alloc : memref<!tpu.dma_semaphore, #tpu.memory_space<semaphore_mem>>
        %dma_start3A_460 = arith.constant 0 : i32
        %dma_start3A_461 = tpu.memref_slice %arg8[%run_scoped3A_397, %dma_start3A_460] : memref<1x80xi32, #tpu.memory_space<vmem>> -> memref<1x80xi32, #tpu.memory_space<vmem>>
        %dma_start3A_462 = tpu.memref_squeeze %dma_start3A_461 : memref<1x80xi32, #tpu.memory_space<vmem>> -> memref<80xi32, #tpu.memory_space<vmem>>
        %dma_start3A_463 = arith.constant 0 : i32
        %dma_start3A_464 = arith.constant 0 : i32
        %dma_start3A_465 = tpu.memref_slice %arg13[%dma_start3A_463, %dma_start3A_464] : memref<10000x128xf32, #tpu.memory_space<vmem_shared>> -> memref<10000x128xf32, #tpu.memory_space<vmem_shared>>
        tpu.enqueue_indirect_dma source(%arg11 : memref<80x128xf32, #tpu.memory_space<vmem>>) target(%dma_start3A_465 : memref<10000x128xf32, #tpu.memory_space<vmem_shared>>) offsets(%dma_start3A_462 : memref<80xi32, #tpu.memory_space<vmem>>) semaphore(%run_scoped3A_459 : memref<!tpu.dma_semaphore, #tpu.memory_space<semaphore_mem>>) {add = true}
        %dma_wait3A_466 = arith.constant 0 : i32
        %dma_wait3A_467 = tpu.memref_slice %arg8[%run_scoped3A_397, %dma_wait3A_466] : memref<1x80xi32, #tpu.memory_space<vmem>> -> memref<1x80xi32, #tpu.memory_space<vmem>>
        %dma_wait3A_468 = tpu.memref_squeeze %dma_wait3A_467 : memref<1x80xi32, #tpu.memory_space<vmem>> -> memref<80xi32, #tpu.memory_space<vmem>>
        %dma_wait3A_469 = arith.constant 0 : i32
        %dma_wait3A_470 = arith.constant 0 : i32
        %dma_wait3A_471 = tpu.memref_slice %arg13[%dma_wait3A_469, %dma_wait3A_470] : memref<10000x128xf32, #tpu.memory_space<vmem_shared>> -> memref<10000x128xf32, #tpu.memory_space<vmem_shared>>
        tpu.wait_indirect_dma semaphore(%run_scoped3A_459 : memref<!tpu.dma_semaphore, #tpu.memory_space<semaphore_mem>>) src(%arg11 : memref<80x128xf32, #tpu.memory_space<vmem>>) dst(%dma_wait3A_471 : memref<10000x128xf32, #tpu.memory_space<vmem_shared>>)
        tpu.yield
      }) : () -> ()
      %add3A_398 = arith.constant 4 : i32
      %add3A_399 = arith.addi %mul3A_337, %add3A_398 : i32
      %dma_start3A_400 = arith.constant 0 : i32
      %dma_start3A_401 = tpu.memref_slice %arg6[%add3A_399, %dma_start3A_400] : memref<125x80xi32, #tpu.memory_space<vmem>> -> memref<1x80xi32, #tpu.memory_space<vmem>>
      %dma_start3A_402 = tpu.memref_squeeze %dma_start3A_401 : memref<1x80xi32, #tpu.memory_space<vmem>> -> memref<80xi32, #tpu.memory_space<vmem>>
      %dma_start3A_403 = arith.constant 0 : i32
      %dma_start3A_404 = arith.constant 0 : i32
      %dma_start3A_405 = tpu.memref_slice %arg2[%dma_start3A_403, %dma_start3A_404] : memref<70000x128xf32, #tpu.memory_space<hbm>> -> memref<70000x128xf32, #tpu.memory_space<hbm>>
      tpu.enqueue_indirect_dma source(%dma_start3A_405 : memref<70000x128xf32, #tpu.memory_space<hbm>>) target(%arg11 : memref<80x128xf32, #tpu.memory_space<vmem>>) offsets(%dma_start3A_402 : memref<80xi32, #tpu.memory_space<vmem>>) semaphore(%arg15 : memref<!tpu.dma_semaphore, #tpu.memory_space<semaphore_mem>>)
      %dma_start3A_406 = arith.constant 0 : i32
      %dma_start3A_407 = arith.constant 0 : i32
      %dma_start3A_408 = tpu.memref_slice %arg4[%add3A, %dma_start3A_406, %dma_start3A_407] : memref<32x125x80xi32, #tpu.memory_space<hbm>> -> memref<1x125x80xi32, #tpu.memory_space<hbm>>
      %dma_start3A_409 = tpu.memref_squeeze %dma_start3A_408 : memref<1x125x80xi32, #tpu.memory_space<hbm>> -> memref<125x80xi32, #tpu.memory_space<hbm>>
      %dma_start3A_410 = arith.constant 0 : i32
      %dma_start3A_411 = tpu.memref_slice %dma_start3A_409[%add3A_399, %dma_start3A_410] : memref<125x80xi32, #tpu.memory_space<hbm>> -> memref<1x80xi32, #tpu.memory_space<hbm>>
      %dma_start3A_412 = arith.constant 0 : i32
      %dma_start3A_413 = arith.constant 0 : i32
      %dma_start3A_414 = tpu.memref_slice %arg4[%add3A, %dma_start3A_412, %dma_start3A_413] : memref<32x125x80xi32, #tpu.memory_space<hbm>> -> memref<1x125x80xi32, #tpu.memory_space<hbm>>
      %dma_start3A_415 = tpu.memref_squeeze %dma_start3A_414 : memref<1x125x80xi32, #tpu.memory_space<hbm>> -> memref<125x80xi32, #tpu.memory_space<hbm>>
      %dma_start3A_416 = arith.constant 0 : i32
      %dma_start3A_417 = tpu.memref_slice %dma_start3A_415[%add3A_399, %dma_start3A_416] : memref<125x80xi32, #tpu.memory_space<hbm>> -> memref<1x80xi32, #tpu.memory_space<hbm>>
      tpu.enqueue_dma source(%dma_start3A_417 : memref<1x80xi32, #tpu.memory_space<hbm>>) target(%arg8 : memref<1x80xi32, #tpu.memory_space<vmem>>) target_semaphore(%arg15 : memref<!tpu.dma_semaphore, #tpu.memory_space<semaphore_mem>>)
      %add3A_418 = arith.constant 2 : i32
      %add3A_419 = arith.addi %mul3A_337, %add3A_418 : i32
      %dma_wait3A_420 = arith.constant 0 : i32
      %dma_wait3A_421 = tpu.memref_slice %arg6[%add3A_419, %dma_wait3A_420] : memref<125x80xi32, #tpu.memory_space<vmem>> -> memref<1x80xi32, #tpu.memory_space<vmem>>
      %dma_wait3A_422 = tpu.memref_squeeze %dma_wait3A_421 : memref<1x80xi32, #tpu.memory_space<vmem>> -> memref<80xi32, #tpu.memory_space<vmem>>
      %dma_wait3A_423 = arith.constant 0 : i32
      %dma_wait3A_424 = arith.constant 0 : i32
      %dma_wait3A_425 = tpu.memref_slice %arg2[%dma_wait3A_423, %dma_wait3A_424] : memref<70000x128xf32, #tpu.memory_space<hbm>> -> memref<70000x128xf32, #tpu.memory_space<hbm>>
      tpu.wait_indirect_dma semaphore(%arg16 : memref<!tpu.dma_semaphore, #tpu.memory_space<semaphore_mem>>) src(%dma_wait3A_425 : memref<70000x128xf32, #tpu.memory_space<hbm>>) dst(%arg12 : memref<80x128xf32, #tpu.memory_space<vmem>>)
      %dma_wait3A_426 = arith.constant 0 : i32
      %dma_wait3A_427 = arith.constant 0 : i32
      %dma_wait3A_428 = tpu.memref_slice %arg4[%add3A, %dma_wait3A_426, %dma_wait3A_427] : memref<32x125x80xi32, #tpu.memory_space<hbm>> -> memref<1x125x80xi32, #tpu.memory_space<hbm>>
      %dma_wait3A_429 = tpu.memref_squeeze %dma_wait3A_428 : memref<1x125x80xi32, #tpu.memory_space<hbm>> -> memref<125x80xi32, #tpu.memory_space<hbm>>
      %dma_wait3A_430 = arith.constant 0 : i32
      %dma_wait3A_431 = tpu.memref_slice %dma_wait3A_429[%add3A_419, %dma_wait3A_430] : memref<125x80xi32, #tpu.memory_space<hbm>> -> memref<1x80xi32, #tpu.memory_space<hbm>>
      %dma_wait3A_432 = arith.constant 0 : i32
      %dma_wait3A_433 = arith.constant 0 : i32
      %dma_wait3A_434 = tpu.memref_slice %arg4[%add3A, %dma_wait3A_432, %dma_wait3A_433] : memref<32x125x80xi32, #tpu.memory_space<hbm>> -> memref<1x125x80xi32, #tpu.memory_space<hbm>>
      %dma_wait3A_435 = tpu.memref_squeeze %dma_wait3A_434 : memref<1x125x80xi32, #tpu.memory_space<hbm>> -> memref<125x80xi32, #tpu.memory_space<hbm>>
      %dma_wait3A_436 = arith.constant 0 : i32
      %dma_wait3A_437 = tpu.memref_slice %dma_wait3A_435[%add3A_419, %dma_wait3A_436] : memref<125x80xi32, #tpu.memory_space<hbm>> -> memref<1x80xi32, #tpu.memory_space<hbm>>
      tpu.wait_dma2 semaphore(%arg16 : memref<!tpu.dma_semaphore, #tpu.memory_space<semaphore_mem>>) src(%dma_wait3A_437 : memref<1x80xi32, #tpu.memory_space<hbm>>) dst(%arg9 : memref<1x80xi32, #tpu.memory_space<vmem>>)
      %run_scoped3A_438 = arith.constant 0 : i32
      "tpu.region"() ({
        %run_scoped3A_459 = tpu.sem_alloc : memref<!tpu.dma_semaphore, #tpu.memory_space<semaphore_mem>>
        %dma_start3A_460 = arith.constant 0 : i32
        %dma_start3A_461 = tpu.memref_slice %arg9[%run_scoped3A_438, %dma_start3A_460] : memref<1x80xi32, #tpu.memory_space<vmem>> -> memref<1x80xi32, #tpu.memory_space<vmem>>
        %dma_start3A_462 = tpu.memref_squeeze %dma_start3A_461 : memref<1x80xi32, #tpu.memory_space<vmem>> -> memref<80xi32, #tpu.memory_space<vmem>>
        %dma_start3A_463 = arith.constant 0 : i32
        %dma_start3A_464 = arith.constant 0 : i32
        %dma_start3A_465 = tpu.memref_slice %arg13[%dma_start3A_463, %dma_start3A_464] : memref<10000x128xf32, #tpu.memory_space<vmem_shared>> -> memref<10000x128xf32, #tpu.memory_space<vmem_shared>>
        tpu.enqueue_indirect_dma source(%arg12 : memref<80x128xf32, #tpu.memory_space<vmem>>) target(%dma_start3A_465 : memref<10000x128xf32, #tpu.memory_space<vmem_shared>>) offsets(%dma_start3A_462 : memref<80xi32, #tpu.memory_space<vmem>>) semaphore(%run_scoped3A_459 : memref<!tpu.dma_semaphore, #tpu.memory_space<semaphore_mem>>) {add = true}
        %dma_wait3A_466 = arith.constant 0 : i32
        %dma_wait3A_467 = tpu.memref_slice %arg9[%run_scoped3A_438, %dma_wait3A_466] : memref<1x80xi32, #tpu.memory_space<vmem>> -> memref<1x80xi32, #tpu.memory_space<vmem>>
        %dma_wait3A_468 = tpu.memref_squeeze %dma_wait3A_467 : memref<1x80xi32, #tpu.memory_space<vmem>> -> memref<80xi32, #tpu.memory_space<vmem>>
        %dma_wait3A_469 = arith.constant 0 : i32
        %dma_wait3A_470 = arith.constant 0 : i32
        %dma_wait3A_471 = tpu.memref_slice %arg13[%dma_wait3A_469, %dma_wait3A_470] : memref<10000x128xf32, #tpu.memory_space<vmem_shared>> -> memref<10000x128xf32, #tpu.memory_space<vmem_shared>>
        tpu.wait_indirect_dma semaphore(%run_scoped3A_459 : memref<!tpu.dma_semaphore, #tpu.memory_space<semaphore_mem>>) src(%arg12 : memref<80x128xf32, #tpu.memory_space<vmem>>) dst(%dma_wait3A_471 : memref<10000x128xf32, #tpu.memory_space<vmem_shared>>)
        tpu.yield
      }) : () -> ()
      %add3A_439 = arith.constant 5 : i32
      %add3A_440 = arith.addi %mul3A_337, %add3A_439 : i32
      %dma_start3A_441 = arith.constant 0 : i32
      %dma_start3A_442 = tpu.memref_slice %arg6[%add3A_440, %dma_start3A_441] : memref<125x80xi32, #tpu.memory_space<vmem>> -> memref<1x80xi32, #tpu.memory_space<vmem>>
      %dma_start3A_443 = tpu.memref_squeeze %dma_start3A_442 : memref<1x80xi32, #tpu.memory_space<vmem>> -> memref<80xi32, #tpu.memory_space<vmem>>
      %dma_start3A_444 = arith.constant 0 : i32
      %dma_start3A_445 = arith.constant 0 : i32
      %dma_start3A_446 = tpu.memref_slice %arg2[%dma_start3A_444, %dma_start3A_445] : memref<70000x128xf32, #tpu.memory_space<hbm>> -> memref<70000x128xf32, #tpu.memory_space<hbm>>
      tpu.enqueue_indirect_dma source(%dma_start3A_446 : memref<70000x128xf32, #tpu.memory_space<hbm>>) target(%arg12 : memref<80x128xf32, #tpu.memory_space<vmem>>) offsets(%dma_start3A_443 : memref<80xi32, #tpu.memory_space<vmem>>) semaphore(%arg16 : memref<!tpu.dma_semaphore, #tpu.memory_space<semaphore_mem>>)
      %dma_start3A_447 = arith.constant 0 : i32
      %dma_start3A_448 = arith.constant 0 : i32
      %dma_start3A_449 = tpu.memref_slice %arg4[%add3A, %dma_start3A_447, %dma_start3A_448] : memref<32x125x80xi32, #tpu.memory_space<hbm>> -> memref<1x125x80xi32, #tpu.memory_space<hbm>>
      %dma_start3A_450 = tpu.memref_squeeze %dma_start3A_449 : memref<1x125x80xi32, #tpu.memory_space<hbm>> -> memref<125x80xi32, #tpu.memory_space<hbm>>
      %dma_start3A_451 = arith.constant 0 : i32
      %dma_start3A_452 = tpu.memref_slice %dma_start3A_450[%add3A_440, %dma_start3A_451] : memref<125x80xi32, #tpu.memory_space<hbm>> -> memref<1x80xi32, #tpu.memory_space<hbm>>
      %dma_start3A_453 = arith.constant 0 : i32
      %dma_start3A_454 = arith.constant 0 : i32
      %dma_start3A_455 = tpu.memref_slice %arg4[%add3A, %dma_start3A_453, %dma_start3A_454] : memref<32x125x80xi32, #tpu.memory_space<hbm>> -> memref<1x125x80xi32, #tpu.memory_space<hbm>>
      %dma_start3A_456 = tpu.memref_squeeze %dma_start3A_455 : memref<1x125x80xi32, #tpu.memory_space<hbm>> -> memref<125x80xi32, #tpu.memory_space<hbm>>
      %dma_start3A_457 = arith.constant 0 : i32
      %dma_start3A_458 = tpu.memref_slice %dma_start3A_456[%add3A_440, %dma_start3A_457] : memref<125x80xi32, #tpu.memory_space<hbm>> -> memref<1x80xi32, #tpu.memory_space<hbm>>
      tpu.enqueue_dma source(%dma_start3A_458 : memref<1x80xi32, #tpu.memory_space<hbm>>) target(%arg9 : memref<1x80xi32, #tpu.memory_space<vmem>>) target_semaphore(%arg16 : memref<!tpu.dma_semaphore, #tpu.memory_space<semaphore_mem>>)
    }
    %scan3A_127 = arith.constant 40 : i32
    %dma_wait3A = arith.constant 120 : i32
    %dma_wait3A_128 = arith.constant 0 : i32
    %dma_wait3A_129 = tpu.memref_slice %arg6[%dma_wait3A, %dma_wait3A_128] : memref<125x80xi32, #tpu.memory_space<vmem>> -> memref<1x80xi32, #tpu.memory_space<vmem>>
    %dma_wait3A_130 = tpu.memref_squeeze %dma_wait3A_129 : memref<1x80xi32, #tpu.memory_space<vmem>> -> memref<80xi32, #tpu.memory_space<vmem>>
    %dma_wait3A_131 = arith.constant 0 : i32
    %dma_wait3A_132 = arith.constant 0 : i32
    %dma_wait3A_133 = tpu.memref_slice %arg2[%dma_wait3A_131, %dma_wait3A_132] : memref<70000x128xf32, #tpu.memory_space<hbm>> -> memref<70000x128xf32, #tpu.memory_space<hbm>>
    tpu.wait_indirect_dma semaphore(%arg14 : memref<!tpu.dma_semaphore, #tpu.memory_space<semaphore_mem>>) src(%dma_wait3A_133 : memref<70000x128xf32, #tpu.memory_space<hbm>>) dst(%arg10 : memref<80x128xf32, #tpu.memory_space<vmem>>)
    %dma_wait3A_134 = arith.constant 0 : i32
    %dma_wait3A_135 = arith.constant 0 : i32
    %dma_wait3A_136 = tpu.memref_slice %arg4[%add3A, %dma_wait3A_134, %dma_wait3A_135] : memref<32x125x80xi32, #tpu.memory_space<hbm>> -> memref<1x125x80xi32, #tpu.memory_space<hbm>>
    %dma_wait3A_137 = tpu.memref_squeeze %dma_wait3A_136 : memref<1x125x80xi32, #tpu.memory_space<hbm>> -> memref<125x80xi32, #tpu.memory_space<hbm>>
    %dma_wait3A_138 = arith.constant 120 : i32
    %dma_wait3A_139 = arith.constant 0 : i32
    %dma_wait3A_140 = tpu.memref_slice %dma_wait3A_137[%dma_wait3A_138, %dma_wait3A_139] : memref<125x80xi32, #tpu.memory_space<hbm>> -> memref<1x80xi32, #tpu.memory_space<hbm>>
    %dma_wait3A_141 = arith.constant 0 : i32
    %dma_wait3A_142 = arith.constant 0 : i32
    %dma_wait3A_143 = tpu.memref_slice %arg4[%add3A, %dma_wait3A_141, %dma_wait3A_142] : memref<32x125x80xi32, #tpu.memory_space<hbm>> -> memref<1x125x80xi32, #tpu.memory_space<hbm>>
    %dma_wait3A_144 = tpu.memref_squeeze %dma_wait3A_143 : memref<1x125x80xi32, #tpu.memory_space<hbm>> -> memref<125x80xi32, #tpu.memory_space<hbm>>
    %dma_wait3A_145 = arith.constant 120 : i32
    %dma_wait3A_146 = arith.constant 0 : i32
    %dma_wait3A_147 = tpu.memref_slice %dma_wait3A_144[%dma_wait3A_145, %dma_wait3A_146] : memref<125x80xi32, #tpu.memory_space<hbm>> -> memref<1x80xi32, #tpu.memory_space<hbm>>
    tpu.wait_dma2 semaphore(%arg14 : memref<!tpu.dma_semaphore, #tpu.memory_space<semaphore_mem>>) src(%dma_wait3A_147 : memref<1x80xi32, #tpu.memory_space<hbm>>) dst(%arg7 : memref<1x80xi32, #tpu.memory_space<vmem>>)
    %run_scoped3A = arith.constant 0 : i32
    "tpu.region"() ({
      %run_scoped3A_335 = tpu.sem_alloc : memref<!tpu.dma_semaphore, #tpu.memory_space<semaphore_mem>>
      %dma_start3A_336 = arith.constant 0 : i32
      %dma_start3A_337 = tpu.memref_slice %arg7[%run_scoped3A, %dma_start3A_336] : memref<1x80xi32, #tpu.memory_space<vmem>> -> memref<1x80xi32, #tpu.memory_space<vmem>>
      %dma_start3A_338 = tpu.memref_squeeze %dma_start3A_337 : memref<1x80xi32, #tpu.memory_space<vmem>> -> memref<80xi32, #tpu.memory_space<vmem>>
      %dma_start3A_339 = arith.constant 0 : i32
      %dma_start3A_340 = arith.constant 0 : i32
      %dma_start3A_341 = tpu.memref_slice %arg13[%dma_start3A_339, %dma_start3A_340] : memref<10000x128xf32, #tpu.memory_space<vmem_shared>> -> memref<10000x128xf32, #tpu.memory_space<vmem_shared>>
      tpu.enqueue_indirect_dma source(%arg10 : memref<80x128xf32, #tpu.memory_space<vmem>>) target(%dma_start3A_341 : memref<10000x128xf32, #tpu.memory_space<vmem_shared>>) offsets(%dma_start3A_338 : memref<80xi32, #tpu.memory_space<vmem>>) semaphore(%run_scoped3A_335 : memref<!tpu.dma_semaphore, #tpu.memory_space<semaphore_mem>>) {add = true}
      %dma_wait3A_342 = arith.constant 0 : i32
      %dma_wait3A_343 = tpu.memref_slice %arg7[%run_scoped3A, %dma_wait3A_342] : memref<1x80xi32, #tpu.memory_space<vmem>> -> memref<1x80xi32, #tpu.memory_space<vmem>>
      %dma_wait3A_344 = tpu.memref_squeeze %dma_wait3A_343 : memref<1x80xi32, #tpu.memory_space<vmem>> -> memref<80xi32, #tpu.memory_space<vmem>>
      %dma_wait3A_345 = arith.constant 0 : i32
      %dma_wait3A_346 = arith.constant 0 : i32
      %dma_wait3A_347 = tpu.memref_slice %arg13[%dma_wait3A_345, %dma_wait3A_346] : memref<10000x128xf32, #tpu.memory_space<vmem_shared>> -> memref<10000x128xf32, #tpu.memory_space<vmem_shared>>
      tpu.wait_indirect_dma semaphore(%run_scoped3A_335 : memref<!tpu.dma_semaphore, #tpu.memory_space<semaphore_mem>>) src(%arg10 : memref<80x128xf32, #tpu.memory_space<vmem>>) dst(%dma_wait3A_347 : memref<10000x128xf32, #tpu.memory_space<vmem_shared>>)
      tpu.yield
    }) : () -> ()
    %dma_start3A_148 = arith.constant 123 : i32
    %dma_start3A_149 = arith.constant 0 : i32
    %dma_start3A_150 = tpu.memref_slice %arg6[%dma_start3A_148, %dma_start3A_149] : memref<125x80xi32, #tpu.memory_space<vmem>> -> memref<1x80xi32, #tpu.memory_space<vmem>>
    %dma_start3A_151 = tpu.memref_squeeze %dma_start3A_150 : memref<1x80xi32, #tpu.memory_space<vmem>> -> memref<80xi32, #tpu.memory_space<vmem>>
    %dma_start3A_152 = arith.constant 0 : i32
    %dma_start3A_153 = arith.constant 0 : i32
    %dma_start3A_154 = tpu.memref_slice %arg2[%dma_start3A_152, %dma_start3A_153] : memref<70000x128xf32, #tpu.memory_space<hbm>> -> memref<70000x128xf32, #tpu.memory_space<hbm>>
    tpu.enqueue_indirect_dma source(%dma_start3A_154 : memref<70000x128xf32, #tpu.memory_space<hbm>>) target(%arg10 : memref<80x128xf32, #tpu.memory_space<vmem>>) offsets(%dma_start3A_151 : memref<80xi32, #tpu.memory_space<vmem>>) semaphore(%arg14 : memref<!tpu.dma_semaphore, #tpu.memory_space<semaphore_mem>>)
    %dma_start3A_155 = arith.constant 0 : i32
    %dma_start3A_156 = arith.constant 0 : i32
    %dma_start3A_157 = tpu.memref_slice %arg4[%add3A, %dma_start3A_155, %dma_start3A_156] : memref<32x125x80xi32, #tpu.memory_space<hbm>> -> memref<1x125x80xi32, #tpu.memory_space<hbm>>
    %dma_start3A_158 = tpu.memref_squeeze %dma_start3A_157 : memref<1x125x80xi32, #tpu.memory_space<hbm>> -> memref<125x80xi32, #tpu.memory_space<hbm>>
    %dma_start3A_159 = arith.constant 123 : i32
    %dma_start3A_160 = arith.constant 0 : i32
    %dma_start3A_161 = tpu.memref_slice %dma_start3A_158[%dma_start3A_159, %dma_start3A_160] : memref<125x80xi32, #tpu.memory_space<hbm>> -> memref<1x80xi32, #tpu.memory_space<hbm>>
    %dma_start3A_162 = arith.constant 0 : i32
    %dma_start3A_163 = arith.constant 0 : i32
    %dma_start3A_164 = tpu.memref_slice %arg4[%add3A, %dma_start3A_162, %dma_start3A_163] : memref<32x125x80xi32, #tpu.memory_space<hbm>> -> memref<1x125x80xi32, #tpu.memory_space<hbm>>
    %dma_start3A_165 = tpu.memref_squeeze %dma_start3A_164 : memref<1x125x80xi32, #tpu.memory_space<hbm>> -> memref<125x80xi32, #tpu.memory_space<hbm>>
    %dma_start3A_166 = arith.constant 123 : i32
    %dma_start3A_167 = arith.constant 0 : i32
    %dma_start3A_168 = tpu.memref_slice %dma_start3A_165[%dma_start3A_166, %dma_start3A_167] : memref<125x80xi32, #tpu.memory_space<hbm>> -> memref<1x80xi32, #tpu.memory_space<hbm>>
    tpu.enqueue_dma source(%dma_start3A_168 : memref<1x80xi32, #tpu.memory_space<hbm>>) target(%arg7 : memref<1x80xi32, #tpu.memory_space<vmem>>) target_semaphore(%arg14 : memref<!tpu.dma_semaphore, #tpu.memory_space<semaphore_mem>>)
    %dma_wait3A_169 = arith.constant 121 : i32
    %dma_wait3A_170 = arith.constant 0 : i32
    %dma_wait3A_171 = tpu.memref_slice %arg6[%dma_wait3A_169, %dma_wait3A_170] : memref<125x80xi32, #tpu.memory_space<vmem>> -> memref<1x80xi32, #tpu.memory_space<vmem>>
    %dma_wait3A_172 = tpu.memref_squeeze %dma_wait3A_171 : memref<1x80xi32, #tpu.memory_space<vmem>> -> memref<80xi32, #tpu.memory_space<vmem>>
    %dma_wait3A_173 = arith.constant 0 : i32
    %dma_wait3A_174 = arith.constant 0 : i32
    %dma_wait3A_175 = tpu.memref_slice %arg2[%dma_wait3A_173, %dma_wait3A_174] : memref<70000x128xf32, #tpu.memory_space<hbm>> -> memref<70000x128xf32, #tpu.memory_space<hbm>>
    tpu.wait_indirect_dma semaphore(%arg15 : memref<!tpu.dma_semaphore, #tpu.memory_space<semaphore_mem>>) src(%dma_wait3A_175 : memref<70000x128xf32, #tpu.memory_space<hbm>>) dst(%arg11 : memref<80x128xf32, #tpu.memory_space<vmem>>)
    %dma_wait3A_176 = arith.constant 0 : i32
    %dma_wait3A_177 = arith.constant 0 : i32
    %dma_wait3A_178 = tpu.memref_slice %arg4[%add3A, %dma_wait3A_176, %dma_wait3A_177] : memref<32x125x80xi32, #tpu.memory_space<hbm>> -> memref<1x125x80xi32, #tpu.memory_space<hbm>>
    %dma_wait3A_179 = tpu.memref_squeeze %dma_wait3A_178 : memref<1x125x80xi32, #tpu.memory_space<hbm>> -> memref<125x80xi32, #tpu.memory_space<hbm>>
    %dma_wait3A_180 = arith.constant 121 : i32
    %dma_wait3A_181 = arith.constant 0 : i32
    %dma_wait3A_182 = tpu.memref_slice %dma_wait3A_179[%dma_wait3A_180, %dma_wait3A_181] : memref<125x80xi32, #tpu.memory_space<hbm>> -> memref<1x80xi32, #tpu.memory_space<hbm>>
    %dma_wait3A_183 = arith.constant 0 : i32
    %dma_wait3A_184 = arith.constant 0 : i32
    %dma_wait3A_185 = tpu.memref_slice %arg4[%add3A, %dma_wait3A_183, %dma_wait3A_184] : memref<32x125x80xi32, #tpu.memory_space<hbm>> -> memref<1x125x80xi32, #tpu.memory_space<hbm>>
    %dma_wait3A_186 = tpu.memref_squeeze %dma_wait3A_185 : memref<1x125x80xi32, #tpu.memory_space<hbm>> -> memref<125x80xi32, #tpu.memory_space<hbm>>
    %dma_wait3A_187 = arith.constant 121 : i32
    %dma_wait3A_188 = arith.constant 0 : i32
    %dma_wait3A_189 = tpu.memref_slice %dma_wait3A_186[%dma_wait3A_187, %dma_wait3A_188] : memref<125x80xi32, #tpu.memory_space<hbm>> -> memref<1x80xi32, #tpu.memory_space<hbm>>
    tpu.wait_dma2 semaphore(%arg15 : memref<!tpu.dma_semaphore, #tpu.memory_space<semaphore_mem>>) src(%dma_wait3A_189 : memref<1x80xi32, #tpu.memory_space<hbm>>) dst(%arg8 : memref<1x80xi32, #tpu.memory_space<vmem>>)
    %run_scoped3A_190 = arith.constant 0 : i32
    "tpu.region"() ({
      %run_scoped3A_335 = tpu.sem_alloc : memref<!tpu.dma_semaphore, #tpu.memory_space<semaphore_mem>>
      %dma_start3A_336 = arith.constant 0 : i32
      %dma_start3A_337 = tpu.memref_slice %arg8[%run_scoped3A_190, %dma_start3A_336] : memref<1x80xi32, #tpu.memory_space<vmem>> -> memref<1x80xi32, #tpu.memory_space<vmem>>
      %dma_start3A_338 = tpu.memref_squeeze %dma_start3A_337 : memref<1x80xi32, #tpu.memory_space<vmem>> -> memref<80xi32, #tpu.memory_space<vmem>>
      %dma_start3A_339 = arith.constant 0 : i32
      %dma_start3A_340 = arith.constant 0 : i32
      %dma_start3A_341 = tpu.memref_slice %arg13[%dma_start3A_339, %dma_start3A_340] : memref<10000x128xf32, #tpu.memory_space<vmem_shared>> -> memref<10000x128xf32, #tpu.memory_space<vmem_shared>>
      tpu.enqueue_indirect_dma source(%arg11 : memref<80x128xf32, #tpu.memory_space<vmem>>) target(%dma_start3A_341 : memref<10000x128xf32, #tpu.memory_space<vmem_shared>>) offsets(%dma_start3A_338 : memref<80xi32, #tpu.memory_space<vmem>>) semaphore(%run_scoped3A_335 : memref<!tpu.dma_semaphore, #tpu.memory_space<semaphore_mem>>) {add = true}
      %dma_wait3A_342 = arith.constant 0 : i32
      %dma_wait3A_343 = tpu.memref_slice %arg8[%run_scoped3A_190, %dma_wait3A_342] : memref<1x80xi32, #tpu.memory_space<vmem>> -> memref<1x80xi32, #tpu.memory_space<vmem>>
      %dma_wait3A_344 = tpu.memref_squeeze %dma_wait3A_343 : memref<1x80xi32, #tpu.memory_space<vmem>> -> memref<80xi32, #tpu.memory_space<vmem>>
      %dma_wait3A_345 = arith.constant 0 : i32
      %dma_wait3A_346 = arith.constant 0 : i32
      %dma_wait3A_347 = tpu.memref_slice %arg13[%dma_wait3A_345, %dma_wait3A_346] : memref<10000x128xf32, #tpu.memory_space<vmem_shared>> -> memref<10000x128xf32, #tpu.memory_space<vmem_shared>>
      tpu.wait_indirect_dma semaphore(%run_scoped3A_335 : memref<!tpu.dma_semaphore, #tpu.memory_space<semaphore_mem>>) src(%arg11 : memref<80x128xf32, #tpu.memory_space<vmem>>) dst(%dma_wait3A_347 : memref<10000x128xf32, #tpu.memory_space<vmem_shared>>)
      tpu.yield
    }) : () -> ()
    %dma_start3A_191 = arith.constant 124 : i32
    %dma_start3A_192 = arith.constant 0 : i32
    %dma_start3A_193 = tpu.memref_slice %arg6[%dma_start3A_191, %dma_start3A_192] : memref<125x80xi32, #tpu.memory_space<vmem>> -> memref<1x80xi32, #tpu.memory_space<vmem>>
    %dma_start3A_194 = tpu.memref_squeeze %dma_start3A_193 : memref<1x80xi32, #tpu.memory_space<vmem>> -> memref<80xi32, #tpu.memory_space<vmem>>
    %dma_start3A_195 = arith.constant 0 : i32
    %dma_start3A_196 = arith.constant 0 : i32
    %dma_start3A_197 = tpu.memref_slice %arg2[%dma_start3A_195, %dma_start3A_196] : memref<70000x128xf32, #tpu.memory_space<hbm>> -> memref<70000x128xf32, #tpu.memory_space<hbm>>
    tpu.enqueue_indirect_dma source(%dma_start3A_197 : memref<70000x128xf32, #tpu.memory_space<hbm>>) target(%arg11 : memref<80x128xf32, #tpu.memory_space<vmem>>) offsets(%dma_start3A_194 : memref<80xi32, #tpu.memory_space<vmem>>) semaphore(%arg15 : memref<!tpu.dma_semaphore, #tpu.memory_space<semaphore_mem>>)
    %dma_start3A_198 = arith.constant 0 : i32
    %dma_start3A_199 = arith.constant 0 : i32
    %dma_start3A_200 = tpu.memref_slice %arg4[%add3A, %dma_start3A_198, %dma_start3A_199] : memref<32x125x80xi32, #tpu.memory_space<hbm>> -> memref<1x125x80xi32, #tpu.memory_space<hbm>>
    %dma_start3A_201 = tpu.memref_squeeze %dma_start3A_200 : memref<1x125x80xi32, #tpu.memory_space<hbm>> -> memref<125x80xi32, #tpu.memory_space<hbm>>
    %dma_start3A_202 = arith.constant 124 : i32
    %dma_start3A_203 = arith.constant 0 : i32
    %dma_start3A_204 = tpu.memref_slice %dma_start3A_201[%dma_start3A_202, %dma_start3A_203] : memref<125x80xi32, #tpu.memory_space<hbm>> -> memref<1x80xi32, #tpu.memory_space<hbm>>
    %dma_start3A_205 = arith.constant 0 : i32
    %dma_start3A_206 = arith.constant 0 : i32
    %dma_start3A_207 = tpu.memref_slice %arg4[%add3A, %dma_start3A_205, %dma_start3A_206] : memref<32x125x80xi32, #tpu.memory_space<hbm>> -> memref<1x125x80xi32, #tpu.memory_space<hbm>>
    %dma_start3A_208 = tpu.memref_squeeze %dma_start3A_207 : memref<1x125x80xi32, #tpu.memory_space<hbm>> -> memref<125x80xi32, #tpu.memory_space<hbm>>
    %dma_start3A_209 = arith.constant 124 : i32
    %dma_start3A_210 = arith.constant 0 : i32
    %dma_start3A_211 = tpu.memref_slice %dma_start3A_208[%dma_start3A_209, %dma_start3A_210] : memref<125x80xi32, #tpu.memory_space<hbm>> -> memref<1x80xi32, #tpu.memory_space<hbm>>
    tpu.enqueue_dma source(%dma_start3A_211 : memref<1x80xi32, #tpu.memory_space<hbm>>) target(%arg8 : memref<1x80xi32, #tpu.memory_space<vmem>>) target_semaphore(%arg15 : memref<!tpu.dma_semaphore, #tpu.memory_space<semaphore_mem>>)
    %dma_wait3A_212 = arith.constant 122 : i32
    %dma_wait3A_213 = arith.constant 0 : i32
    %dma_wait3A_214 = tpu.memref_slice %arg6[%dma_wait3A_212, %dma_wait3A_213] : memref<125x80xi32, #tpu.memory_space<vmem>> -> memref<1x80xi32, #tpu.memory_space<vmem>>
    %dma_wait3A_215 = tpu.memref_squeeze %dma_wait3A_214 : memref<1x80xi32, #tpu.memory_space<vmem>> -> memref<80xi32, #tpu.memory_space<vmem>>
    %dma_wait3A_216 = arith.constant 0 : i32
    %dma_wait3A_217 = arith.constant 0 : i32
    %dma_wait3A_218 = tpu.memref_slice %arg2[%dma_wait3A_216, %dma_wait3A_217] : memref<70000x128xf32, #tpu.memory_space<hbm>> -> memref<70000x128xf32, #tpu.memory_space<hbm>>
    tpu.wait_indirect_dma semaphore(%arg16 : memref<!tpu.dma_semaphore, #tpu.memory_space<semaphore_mem>>) src(%dma_wait3A_218 : memref<70000x128xf32, #tpu.memory_space<hbm>>) dst(%arg12 : memref<80x128xf32, #tpu.memory_space<vmem>>)
    %dma_wait3A_219 = arith.constant 0 : i32
    %dma_wait3A_220 = arith.constant 0 : i32
    %dma_wait3A_221 = tpu.memref_slice %arg4[%add3A, %dma_wait3A_219, %dma_wait3A_220] : memref<32x125x80xi32, #tpu.memory_space<hbm>> -> memref<1x125x80xi32, #tpu.memory_space<hbm>>
    %dma_wait3A_222 = tpu.memref_squeeze %dma_wait3A_221 : memref<1x125x80xi32, #tpu.memory_space<hbm>> -> memref<125x80xi32, #tpu.memory_space<hbm>>
    %dma_wait3A_223 = arith.constant 122 : i32
    %dma_wait3A_224 = arith.constant 0 : i32
    %dma_wait3A_225 = tpu.memref_slice %dma_wait3A_222[%dma_wait3A_223, %dma_wait3A_224] : memref<125x80xi32, #tpu.memory_space<hbm>> -> memref<1x80xi32, #tpu.memory_space<hbm>>
    %dma_wait3A_226 = arith.constant 0 : i32
    %dma_wait3A_227 = arith.constant 0 : i32
    %dma_wait3A_228 = tpu.memref_slice %arg4[%add3A, %dma_wait3A_226, %dma_wait3A_227] : memref<32x125x80xi32, #tpu.memory_space<hbm>> -> memref<1x125x80xi32, #tpu.memory_space<hbm>>
    %dma_wait3A_229 = tpu.memref_squeeze %dma_wait3A_228 : memref<1x125x80xi32, #tpu.memory_space<hbm>> -> memref<125x80xi32, #tpu.memory_space<hbm>>
    %dma_wait3A_230 = arith.constant 122 : i32
    %dma_wait3A_231 = arith.constant 0 : i32
    %dma_wait3A_232 = tpu.memref_slice %dma_wait3A_229[%dma_wait3A_230, %dma_wait3A_231] : memref<125x80xi32, #tpu.memory_space<hbm>> -> memref<1x80xi32, #tpu.memory_space<hbm>>
    tpu.wait_dma2 semaphore(%arg16 : memref<!tpu.dma_semaphore, #tpu.memory_space<semaphore_mem>>) src(%dma_wait3A_232 : memref<1x80xi32, #tpu.memory_space<hbm>>) dst(%arg9 : memref<1x80xi32, #tpu.memory_space<vmem>>)
    %run_scoped3A_233 = arith.constant 0 : i32
    "tpu.region"() ({
      %run_scoped3A_335 = tpu.sem_alloc : memref<!tpu.dma_semaphore, #tpu.memory_space<semaphore_mem>>
      %dma_start3A_336 = arith.constant 0 : i32
      %dma_start3A_337 = tpu.memref_slice %arg9[%run_scoped3A_233, %dma_start3A_336] : memref<1x80xi32, #tpu.memory_space<vmem>> -> memref<1x80xi32, #tpu.memory_space<vmem>>
      %dma_start3A_338 = tpu.memref_squeeze %dma_start3A_337 : memref<1x80xi32, #tpu.memory_space<vmem>> -> memref<80xi32, #tpu.memory_space<vmem>>
      %dma_start3A_339 = arith.constant 0 : i32
      %dma_start3A_340 = arith.constant 0 : i32
      %dma_start3A_341 = tpu.memref_slice %arg13[%dma_start3A_339, %dma_start3A_340] : memref<10000x128xf32, #tpu.memory_space<vmem_shared>> -> memref<10000x128xf32, #tpu.memory_space<vmem_shared>>
      tpu.enqueue_indirect_dma source(%arg12 : memref<80x128xf32, #tpu.memory_space<vmem>>) target(%dma_start3A_341 : memref<10000x128xf32, #tpu.memory_space<vmem_shared>>) offsets(%dma_start3A_338 : memref<80xi32, #tpu.memory_space<vmem>>) semaphore(%run_scoped3A_335 : memref<!tpu.dma_semaphore, #tpu.memory_space<semaphore_mem>>) {add = true}
      %dma_wait3A_342 = arith.constant 0 : i32
      %dma_wait3A_343 = tpu.memref_slice %arg9[%run_scoped3A_233, %dma_wait3A_342] : memref<1x80xi32, #tpu.memory_space<vmem>> -> memref<1x80xi32, #tpu.memory_space<vmem>>
      %dma_wait3A_344 = tpu.memref_squeeze %dma_wait3A_343 : memref<1x80xi32, #tpu.memory_space<vmem>> -> memref<80xi32, #tpu.memory_space<vmem>>
      %dma_wait3A_345 = arith.constant 0 : i32
      %dma_wait3A_346 = arith.constant 0 : i32
      %dma_wait3A_347 = tpu.memref_slice %arg13[%dma_wait3A_345, %dma_wait3A_346] : memref<10000x128xf32, #tpu.memory_space<vmem_shared>> -> memref<10000x128xf32, #tpu.memory_space<vmem_shared>>
      tpu.wait_indirect_dma semaphore(%run_scoped3A_335 : memref<!tpu.dma_semaphore, #tpu.memory_space<semaphore_mem>>) src(%arg12 : memref<80x128xf32, #tpu.memory_space<vmem>>) dst(%dma_wait3A_347 : memref<10000x128xf32, #tpu.memory_space<vmem_shared>>)
      tpu.yield
    }) : () -> ()
    %dma_wait3A_234 = arith.constant 123 : i32
    %dma_wait3A_235 = arith.constant 0 : i32
    %dma_wait3A_236 = tpu.memref_slice %arg6[%dma_wait3A_234, %dma_wait3A_235] : memref<125x80xi32, #tpu.memory_space<vmem>> -> memref<1x80xi32, #tpu.memory_space<vmem>>
    %dma_wait3A_237 = tpu.memref_squeeze %dma_wait3A_236 : memref<1x80xi32, #tpu.memory_space<vmem>> -> memref<80xi32, #tpu.memory_space<vmem>>
    %dma_wait3A_238 = arith.constant 0 : i32
    %dma_wait3A_239 = arith.constant 0 : i32
    %dma_wait3A_240 = tpu.memref_slice %arg2[%dma_wait3A_238, %dma_wait3A_239] : memref<70000x128xf32, #tpu.memory_space<hbm>> -> memref<70000x128xf32, #tpu.memory_space<hbm>>
    tpu.wait_indirect_dma semaphore(%arg14 : memref<!tpu.dma_semaphore, #tpu.memory_space<semaphore_mem>>) src(%dma_wait3A_240 : memref<70000x128xf32, #tpu.memory_space<hbm>>) dst(%arg10 : memref<80x128xf32, #tpu.memory_space<vmem>>)
    %dma_wait3A_241 = arith.constant 0 : i32
    %dma_wait3A_242 = arith.constant 0 : i32
    %dma_wait3A_243 = tpu.memref_slice %arg4[%add3A, %dma_wait3A_241, %dma_wait3A_242] : memref<32x125x80xi32, #tpu.memory_space<hbm>> -> memref<1x125x80xi32, #tpu.memory_space<hbm>>
    %dma_wait3A_244 = tpu.memref_squeeze %dma_wait3A_243 : memref<1x125x80xi32, #tpu.memory_space<hbm>> -> memref<125x80xi32, #tpu.memory_space<hbm>>
    %dma_wait3A_245 = arith.constant 123 : i32
    %dma_wait3A_246 = arith.constant 0 : i32
    %dma_wait3A_247 = tpu.memref_slice %dma_wait3A_244[%dma_wait3A_245, %dma_wait3A_246] : memref<125x80xi32, #tpu.memory_space<hbm>> -> memref<1x80xi32, #tpu.memory_space<hbm>>
    %dma_wait3A_248 = arith.constant 0 : i32
    %dma_wait3A_249 = arith.constant 0 : i32
    %dma_wait3A_250 = tpu.memref_slice %arg4[%add3A, %dma_wait3A_248, %dma_wait3A_249] : memref<32x125x80xi32, #tpu.memory_space<hbm>> -> memref<1x125x80xi32, #tpu.memory_space<hbm>>
    %dma_wait3A_251 = tpu.memref_squeeze %dma_wait3A_250 : memref<1x125x80xi32, #tpu.memory_space<hbm>> -> memref<125x80xi32, #tpu.memory_space<hbm>>
    %dma_wait3A_252 = arith.constant 123 : i32
    %dma_wait3A_253 = arith.constant 0 : i32
    %dma_wait3A_254 = tpu.memref_slice %dma_wait3A_251[%dma_wait3A_252, %dma_wait3A_253] : memref<125x80xi32, #tpu.memory_space<hbm>> -> memref<1x80xi32, #tpu.memory_space<hbm>>
    tpu.wait_dma2 semaphore(%arg14 : memref<!tpu.dma_semaphore, #tpu.memory_space<semaphore_mem>>) src(%dma_wait3A_254 : memref<1x80xi32, #tpu.memory_space<hbm>>) dst(%arg7 : memref<1x80xi32, #tpu.memory_space<vmem>>)
    %run_scoped3A_255 = arith.constant 0 : i32
    "tpu.region"() ({
      %run_scoped3A_335 = tpu.sem_alloc : memref<!tpu.dma_semaphore, #tpu.memory_space<semaphore_mem>>
      %dma_start3A_336 = arith.constant 0 : i32
      %dma_start3A_337 = tpu.memref_slice %arg7[%run_scoped3A_255, %dma_start3A_336] : memref<1x80xi32, #tpu.memory_space<vmem>> -> memref<1x80xi32, #tpu.memory_space<vmem>>
      %dma_start3A_338 = tpu.memref_squeeze %dma_start3A_337 : memref<1x80xi32, #tpu.memory_space<vmem>> -> memref<80xi32, #tpu.memory_space<vmem>>
      %dma_start3A_339 = arith.constant 0 : i32
      %dma_start3A_340 = arith.constant 0 : i32
      %dma_start3A_341 = tpu.memref_slice %arg13[%dma_start3A_339, %dma_start3A_340] : memref<10000x128xf32, #tpu.memory_space<vmem_shared>> -> memref<10000x128xf32, #tpu.memory_space<vmem_shared>>
      tpu.enqueue_indirect_dma source(%arg10 : memref<80x128xf32, #tpu.memory_space<vmem>>) target(%dma_start3A_341 : memref<10000x128xf32, #tpu.memory_space<vmem_shared>>) offsets(%dma_start3A_338 : memref<80xi32, #tpu.memory_space<vmem>>) semaphore(%run_scoped3A_335 : memref<!tpu.dma_semaphore, #tpu.memory_space<semaphore_mem>>) {add = true}
      %dma_wait3A_342 = arith.constant 0 : i32
      %dma_wait3A_343 = tpu.memref_slice %arg7[%run_scoped3A_255, %dma_wait3A_342] : memref<1x80xi32, #tpu.memory_space<vmem>> -> memref<1x80xi32, #tpu.memory_space<vmem>>
      %dma_wait3A_344 = tpu.memref_squeeze %dma_wait3A_343 : memref<1x80xi32, #tpu.memory_space<vmem>> -> memref<80xi32, #tpu.memory_space<vmem>>
      %dma_wait3A_345 = arith.constant 0 : i32
      %dma_wait3A_346 = arith.constant 0 : i32
      %dma_wait3A_347 = tpu.memref_slice %arg13[%dma_wait3A_345, %dma_wait3A_346] : memref<10000x128xf32, #tpu.memory_space<vmem_shared>> -> memref<10000x128xf32, #tpu.memory_space<vmem_shared>>
      tpu.wait_indirect_dma semaphore(%run_scoped3A_335 : memref<!tpu.dma_semaphore, #tpu.memory_space<semaphore_mem>>) src(%arg10 : memref<80x128xf32, #tpu.memory_space<vmem>>) dst(%dma_wait3A_347 : memref<10000x128xf32, #tpu.memory_space<vmem_shared>>)
      tpu.yield
    }) : () -> ()
    %dma_wait3A_256 = arith.constant 124 : i32
    %dma_wait3A_257 = arith.constant 0 : i32
    %dma_wait3A_258 = tpu.memref_slice %arg6[%dma_wait3A_256, %dma_wait3A_257] : memref<125x80xi32, #tpu.memory_space<vmem>> -> memref<1x80xi32, #tpu.memory_space<vmem>>
    %dma_wait3A_259 = tpu.memref_squeeze %dma_wait3A_258 : memref<1x80xi32, #tpu.memory_space<vmem>> -> memref<80xi32, #tpu.memory_space<vmem>>
    %dma_wait3A_260 = arith.constant 0 : i32
    %dma_wait3A_261 = arith.constant 0 : i32
    %dma_wait3A_262 = tpu.memref_slice %arg2[%dma_wait3A_260, %dma_wait3A_261] : memref<70000x128xf32, #tpu.memory_space<hbm>> -> memref<70000x128xf32, #tpu.memory_space<hbm>>
    tpu.wait_indirect_dma semaphore(%arg15 : memref<!tpu.dma_semaphore, #tpu.memory_space<semaphore_mem>>) src(%dma_wait3A_262 : memref<70000x128xf32, #tpu.memory_space<hbm>>) dst(%arg11 : memref<80x128xf32, #tpu.memory_space<vmem>>)
    %dma_wait3A_263 = arith.constant 0 : i32
    %dma_wait3A_264 = arith.constant 0 : i32
    %dma_wait3A_265 = tpu.memref_slice %arg4[%add3A, %dma_wait3A_263, %dma_wait3A_264] : memref<32x125x80xi32, #tpu.memory_space<hbm>> -> memref<1x125x80xi32, #tpu.memory_space<hbm>>
    %dma_wait3A_266 = tpu.memref_squeeze %dma_wait3A_265 : memref<1x125x80xi32, #tpu.memory_space<hbm>> -> memref<125x80xi32, #tpu.memory_space<hbm>>
    %dma_wait3A_267 = arith.constant 124 : i32
    %dma_wait3A_268 = arith.constant 0 : i32
    %dma_wait3A_269 = tpu.memref_slice %dma_wait3A_266[%dma_wait3A_267, %dma_wait3A_268] : memref<125x80xi32, #tpu.memory_space<hbm>> -> memref<1x80xi32, #tpu.memory_space<hbm>>
    %dma_wait3A_270 = arith.constant 0 : i32
    %dma_wait3A_271 = arith.constant 0 : i32
    %dma_wait3A_272 = tpu.memref_slice %arg4[%add3A, %dma_wait3A_270, %dma_wait3A_271] : memref<32x125x80xi32, #tpu.memory_space<hbm>> -> memref<1x125x80xi32, #tpu.memory_space<hbm>>
    %dma_wait3A_273 = tpu.memref_squeeze %dma_wait3A_272 : memref<1x125x80xi32, #tpu.memory_space<hbm>> -> memref<125x80xi32, #tpu.memory_space<hbm>>
    %dma_wait3A_274 = arith.constant 124 : i32
    %dma_wait3A_275 = arith.constant 0 : i32
    %dma_wait3A_276 = tpu.memref_slice %dma_wait3A_273[%dma_wait3A_274, %dma_wait3A_275] : memref<125x80xi32, #tpu.memory_space<hbm>> -> memref<1x80xi32, #tpu.memory_space<hbm>>
    tpu.wait_dma2 semaphore(%arg15 : memref<!tpu.dma_semaphore, #tpu.memory_space<semaphore_mem>>) src(%dma_wait3A_276 : memref<1x80xi32, #tpu.memory_space<hbm>>) dst(%arg8 : memref<1x80xi32, #tpu.memory_space<vmem>>)
    %run_scoped3A_277 = arith.constant 0 : i32
    "tpu.region"() ({
      %run_scoped3A_335 = tpu.sem_alloc : memref<!tpu.dma_semaphore, #tpu.memory_space<semaphore_mem>>
      %dma_start3A_336 = arith.constant 0 : i32
      %dma_start3A_337 = tpu.memref_slice %arg8[%run_scoped3A_277, %dma_start3A_336] : memref<1x80xi32, #tpu.memory_space<vmem>> -> memref<1x80xi32, #tpu.memory_space<vmem>>
      %dma_start3A_338 = tpu.memref_squeeze %dma_start3A_337 : memref<1x80xi32, #tpu.memory_space<vmem>> -> memref<80xi32, #tpu.memory_space<vmem>>
      %dma_start3A_339 = arith.constant 0 : i32
      %dma_start3A_340 = arith.constant 0 : i32
      %dma_start3A_341 = tpu.memref_slice %arg13[%dma_start3A_339, %dma_start3A_340] : memref<10000x128xf32, #tpu.memory_space<vmem_shared>> -> memref<10000x128xf32, #tpu.memory_space<vmem_shared>>
      tpu.enqueue_indirect_dma source(%arg11 : memref<80x128xf32, #tpu.memory_space<vmem>>) target(%dma_start3A_341 : memref<10000x128xf32, #tpu.memory_space<vmem_shared>>) offsets(%dma_start3A_338 : memref<80xi32, #tpu.memory_space<vmem>>) semaphore(%run_scoped3A_335 : memref<!tpu.dma_semaphore, #tpu.memory_space<semaphore_mem>>) {add = true}
      %dma_wait3A_342 = arith.constant 0 : i32
      %dma_wait3A_343 = tpu.memref_slice %arg8[%run_scoped3A_277, %dma_wait3A_342] : memref<1x80xi32, #tpu.memory_space<vmem>> -> memref<1x80xi32, #tpu.memory_space<vmem>>
      %dma_wait3A_344 = tpu.memref_squeeze %dma_wait3A_343 : memref<1x80xi32, #tpu.memory_space<vmem>> -> memref<80xi32, #tpu.memory_space<vmem>>
      %dma_wait3A_345 = arith.constant 0 : i32
      %dma_wait3A_346 = arith.constant 0 : i32
      %dma_wait3A_347 = tpu.memref_slice %arg13[%dma_wait3A_345, %dma_wait3A_346] : memref<10000x128xf32, #tpu.memory_space<vmem_shared>> -> memref<10000x128xf32, #tpu.memory_space<vmem_shared>>
      tpu.wait_indirect_dma semaphore(%run_scoped3A_335 : memref<!tpu.dma_semaphore, #tpu.memory_space<semaphore_mem>>) src(%arg11 : memref<80x128xf32, #tpu.memory_space<vmem>>) dst(%dma_wait3A_347 : memref<10000x128xf32, #tpu.memory_space<vmem_shared>>)
      tpu.yield
    }) : () -> ()
    %barrier3A_278 = arith.constant 0 : index
    tpu.barrier barrier_id(%barrier3A_278)
    %add3A_279 = arith.constant 0 : i32
    %add3A_280 = arith.addi %add3A_279, %arg1 : i32
    %lt3A_281 = arith.constant 125 : i32
    %lt3A_282 = arith.cmpi slt, %add3A_280, %lt3A_281 : i32
    %convert_element_type3A_283 = arith.extui %lt3A_282 : i1 to i32
    %cond3A_284 = arith.constant 0 : i32
    %cond3A_285 = arith.cmpi ne, %convert_element_type3A_283, %cond3A_284 : i32
    scf.if %cond3A_285 {
      %mul3A_335 = arith.constant 80 : i32
      %mul3A_336 = arith.muli %add3A_280, %mul3A_335 : i32
      %multiple_of3A = tpu.assume_multiple %mul3A_336, 80 : i32
      "tpu.region"() ({
        %run_scoped3A_337 = tpu.sem_alloc : memref<!tpu.dma_semaphore, #tpu.memory_space<semaphore_mem>>
        %dma_start3A_338 = arith.constant 0 : i32
        %dma_start3A_339 = tpu.memref_slice %arg5[%arg0, %multiple_of3A, %dma_start3A_338] : memref<2x10000x128xf32, #tpu.memory_space<hbm>> -> memref<1x80x128xf32, #tpu.memory_space<hbm>>
        %dma_start3A_340 = tpu.memref_squeeze %dma_start3A_339 : memref<1x80x128xf32, #tpu.memory_space<hbm>> -> memref<80x128xf32, #tpu.memory_space<hbm>>
        %dma_start3A_341 = arith.constant 0 : i32
        %dma_start3A_342 = tpu.memref_slice %arg13[%multiple_of3A, %dma_start3A_341] : memref<10000x128xf32, #tpu.memory_space<vmem_shared>> -> memref<80x128xf32, #tpu.memory_space<vmem_shared>>
        tpu.enqueue_dma source(%dma_start3A_342 : memref<80x128xf32, #tpu.memory_space<vmem_shared>>) target(%dma_start3A_340 : memref<80x128xf32, #tpu.memory_space<hbm>>) target_semaphore(%run_scoped3A_337 : memref<!tpu.dma_semaphore, #tpu.memory_space<semaphore_mem>>)
        %dma_wait3A_343 = arith.constant 0 : i32
        %dma_wait3A_344 = tpu.memref_slice %arg5[%arg0, %multiple_of3A, %dma_wait3A_343] : memref<2x10000x128xf32, #tpu.memory_space<hbm>> -> memref<1x80x128xf32, #tpu.memory_space<hbm>>
        %dma_wait3A_345 = tpu.memref_squeeze %dma_wait3A_344 : memref<1x80x128xf32, #tpu.memory_space<hbm>> -> memref<80x128xf32, #tpu.memory_space<hbm>>
        %dma_wait3A_346 = arith.constant 0 : i32
        %dma_wait3A_347 = tpu.memref_slice %arg13[%multiple_of3A, %dma_wait3A_346] : memref<10000x128xf32, #tpu.memory_space<vmem_shared>> -> memref<80x128xf32, #tpu.memory_space<vmem_shared>>
        tpu.wait_dma2 semaphore(%run_scoped3A_337 : memref<!tpu.dma_semaphore, #tpu.memory_space<semaphore_mem>>) src(%dma_wait3A_347 : memref<80x128xf32, #tpu.memory_space<vmem_shared>>) dst(%dma_wait3A_345 : memref<80x128xf32, #tpu.memory_space<hbm>>)
        tpu.yield
      }) : () -> ()
    } else {
    }
    %add3A_286 = arith.constant 16 : i32
    %add3A_287 = arith.addi %add3A_286, %arg1 : i32
    %lt3A_288 = arith.constant 125 : i32
    %lt3A_289 = arith.cmpi slt, %add3A_287, %lt3A_288 : i32
    %convert_element_type3A_290 = arith.extui %lt3A_289 : i1 to i32
    %cond3A_291 = arith.constant 0 : i32
    %cond3A_292 = arith.cmpi ne, %convert_element_type3A_290, %cond3A_291 : i32
    scf.if %cond3A_292 {
      %mul3A_335 = arith.constant 80 : i32
      %mul3A_336 = arith.muli %add3A_287, %mul3A_335 : i32
      %multiple_of3A = tpu.assume_multiple %mul3A_336, 80 : i32
      "tpu.region"() ({
        %run_scoped3A_337 = tpu.sem_alloc : memref<!tpu.dma_semaphore, #tpu.memory_space<semaphore_mem>>
        %dma_start3A_338 = arith.constant 0 : i32
        %dma_start3A_339 = tpu.memref_slice %arg5[%arg0, %multiple_of3A, %dma_start3A_338] : memref<2x10000x128xf32, #tpu.memory_space<hbm>> -> memref<1x80x128xf32, #tpu.memory_space<hbm>>
        %dma_start3A_340 = tpu.memref_squeeze %dma_start3A_339 : memref<1x80x128xf32, #tpu.memory_space<hbm>> -> memref<80x128xf32, #tpu.memory_space<hbm>>
        %dma_start3A_341 = arith.constant 0 : i32
        %dma_start3A_342 = tpu.memref_slice %arg13[%multiple_of3A, %dma_start3A_341] : memref<10000x128xf32, #tpu.memory_space<vmem_shared>> -> memref<80x128xf32, #tpu.memory_space<vmem_shared>>
        tpu.enqueue_dma source(%dma_start3A_342 : memref<80x128xf32, #tpu.memory_space<vmem_shared>>) target(%dma_start3A_340 : memref<80x128xf32, #tpu.memory_space<hbm>>) target_semaphore(%run_scoped3A_337 : memref<!tpu.dma_semaphore, #tpu.memory_space<semaphore_mem>>)
        %dma_wait3A_343 = arith.constant 0 : i32
        %dma_wait3A_344 = tpu.memref_slice %arg5[%arg0, %multiple_of3A, %dma_wait3A_343] : memref<2x10000x128xf32, #tpu.memory_space<hbm>> -> memref<1x80x128xf32, #tpu.memory_space<hbm>>
        %dma_wait3A_345 = tpu.memref_squeeze %dma_wait3A_344 : memref<1x80x128xf32, #tpu.memory_space<hbm>> -> memref<80x128xf32, #tpu.memory_space<hbm>>
        %dma_wait3A_346 = arith.constant 0 : i32
        %dma_wait3A_347 = tpu.memref_slice %arg13[%multiple_of3A, %dma_wait3A_346] : memref<10000x128xf32, #tpu.memory_space<vmem_shared>> -> memref<80x128xf32, #tpu.memory_space<vmem_shared>>
        tpu.wait_dma2 semaphore(%run_scoped3A_337 : memref<!tpu.dma_semaphore, #tpu.memory_space<semaphore_mem>>) src(%dma_wait3A_347 : memref<80x128xf32, #tpu.memory_space<vmem_shared>>) dst(%dma_wait3A_345 : memref<80x128xf32, #tpu.memory_space<hbm>>)
        tpu.yield
      }) : () -> ()
    } else {
    }
    %add3A_293 = arith.constant 32 : i32
    %add3A_294 = arith.addi %add3A_293, %arg1 : i32
    %lt3A_295 = arith.constant 125 : i32
    %lt3A_296 = arith.cmpi slt, %add3A_294, %lt3A_295 : i32
    %convert_element_type3A_297 = arith.extui %lt3A_296 : i1 to i32
    %cond3A_298 = arith.constant 0 : i32
    %cond3A_299 = arith.cmpi ne, %convert_element_type3A_297, %cond3A_298 : i32
    scf.if %cond3A_299 {
      %mul3A_335 = arith.constant 80 : i32
      %mul3A_336 = arith.muli %add3A_294, %mul3A_335 : i32
      %multiple_of3A = tpu.assume_multiple %mul3A_336, 80 : i32
      "tpu.region"() ({
        %run_scoped3A_337 = tpu.sem_alloc : memref<!tpu.dma_semaphore, #tpu.memory_space<semaphore_mem>>
        %dma_start3A_338 = arith.constant 0 : i32
        %dma_start3A_339 = tpu.memref_slice %arg5[%arg0, %multiple_of3A, %dma_start3A_338] : memref<2x10000x128xf32, #tpu.memory_space<hbm>> -> memref<1x80x128xf32, #tpu.memory_space<hbm>>
        %dma_start3A_340 = tpu.memref_squeeze %dma_start3A_339 : memref<1x80x128xf32, #tpu.memory_space<hbm>> -> memref<80x128xf32, #tpu.memory_space<hbm>>
        %dma_start3A_341 = arith.constant 0 : i32
        %dma_start3A_342 = tpu.memref_slice %arg13[%multiple_of3A, %dma_start3A_341] : memref<10000x128xf32, #tpu.memory_space<vmem_shared>> -> memref<80x128xf32, #tpu.memory_space<vmem_shared>>
        tpu.enqueue_dma source(%dma_start3A_342 : memref<80x128xf32, #tpu.memory_space<vmem_shared>>) target(%dma_start3A_340 : memref<80x128xf32, #tpu.memory_space<hbm>>) target_semaphore(%run_scoped3A_337 : memref<!tpu.dma_semaphore, #tpu.memory_space<semaphore_mem>>)
        %dma_wait3A_343 = arith.constant 0 : i32
        %dma_wait3A_344 = tpu.memref_slice %arg5[%arg0, %multiple_of3A, %dma_wait3A_343] : memref<2x10000x128xf32, #tpu.memory_space<hbm>> -> memref<1x80x128xf32, #tpu.memory_space<hbm>>
        %dma_wait3A_345 = tpu.memref_squeeze %dma_wait3A_344 : memref<1x80x128xf32, #tpu.memory_space<hbm>> -> memref<80x128xf32, #tpu.memory_space<hbm>>
        %dma_wait3A_346 = arith.constant 0 : i32
        %dma_wait3A_347 = tpu.memref_slice %arg13[%multiple_of3A, %dma_wait3A_346] : memref<10000x128xf32, #tpu.memory_space<vmem_shared>> -> memref<80x128xf32, #tpu.memory_space<vmem_shared>>
        tpu.wait_dma2 semaphore(%run_scoped3A_337 : memref<!tpu.dma_semaphore, #tpu.memory_space<semaphore_mem>>) src(%dma_wait3A_347 : memref<80x128xf32, #tpu.memory_space<vmem_shared>>) dst(%dma_wait3A_345 : memref<80x128xf32, #tpu.memory_space<hbm>>)
        tpu.yield
      }) : () -> ()
    } else {
    }
    %add3A_300 = arith.constant 48 : i32
    %add3A_301 = arith.addi %add3A_300, %arg1 : i32
    %lt3A_302 = arith.constant 125 : i32
    %lt3A_303 = arith.cmpi slt, %add3A_301, %lt3A_302 : i32
    %convert_element_type3A_304 = arith.extui %lt3A_303 : i1 to i32
    %cond3A_305 = arith.constant 0 : i32
    %cond3A_306 = arith.cmpi ne, %convert_element_type3A_304, %cond3A_305 : i32
    scf.if %cond3A_306 {
      %mul3A_335 = arith.constant 80 : i32
      %mul3A_336 = arith.muli %add3A_301, %mul3A_335 : i32
      %multiple_of3A = tpu.assume_multiple %mul3A_336, 80 : i32
      "tpu.region"() ({
        %run_scoped3A_337 = tpu.sem_alloc : memref<!tpu.dma_semaphore, #tpu.memory_space<semaphore_mem>>
        %dma_start3A_338 = arith.constant 0 : i32
        %dma_start3A_339 = tpu.memref_slice %arg5[%arg0, %multiple_of3A, %dma_start3A_338] : memref<2x10000x128xf32, #tpu.memory_space<hbm>> -> memref<1x80x128xf32, #tpu.memory_space<hbm>>
        %dma_start3A_340 = tpu.memref_squeeze %dma_start3A_339 : memref<1x80x128xf32, #tpu.memory_space<hbm>> -> memref<80x128xf32, #tpu.memory_space<hbm>>
        %dma_start3A_341 = arith.constant 0 : i32
        %dma_start3A_342 = tpu.memref_slice %arg13[%multiple_of3A, %dma_start3A_341] : memref<10000x128xf32, #tpu.memory_space<vmem_shared>> -> memref<80x128xf32, #tpu.memory_space<vmem_shared>>
        tpu.enqueue_dma source(%dma_start3A_342 : memref<80x128xf32, #tpu.memory_space<vmem_shared>>) target(%dma_start3A_340 : memref<80x128xf32, #tpu.memory_space<hbm>>) target_semaphore(%run_scoped3A_337 : memref<!tpu.dma_semaphore, #tpu.memory_space<semaphore_mem>>)
        %dma_wait3A_343 = arith.constant 0 : i32
        %dma_wait3A_344 = tpu.memref_slice %arg5[%arg0, %multiple_of3A, %dma_wait3A_343] : memref<2x10000x128xf32, #tpu.memory_space<hbm>> -> memref<1x80x128xf32, #tpu.memory_space<hbm>>
        %dma_wait3A_345 = tpu.memref_squeeze %dma_wait3A_344 : memref<1x80x128xf32, #tpu.memory_space<hbm>> -> memref<80x128xf32, #tpu.memory_space<hbm>>
        %dma_wait3A_346 = arith.constant 0 : i32
        %dma_wait3A_347 = tpu.memref_slice %arg13[%multiple_of3A, %dma_wait3A_346] : memref<10000x128xf32, #tpu.memory_space<vmem_shared>> -> memref<80x128xf32, #tpu.memory_space<vmem_shared>>
        tpu.wait_dma2 semaphore(%run_scoped3A_337 : memref<!tpu.dma_semaphore, #tpu.memory_space<semaphore_mem>>) src(%dma_wait3A_347 : memref<80x128xf32, #tpu.memory_space<vmem_shared>>) dst(%dma_wait3A_345 : memref<80x128xf32, #tpu.memory_space<hbm>>)
        tpu.yield
      }) : () -> ()
    } else {
    }
    %add3A_307 = arith.constant 64 : i32
    %add3A_308 = arith.addi %add3A_307, %arg1 : i32
    %lt3A_309 = arith.constant 125 : i32
    %lt3A_310 = arith.cmpi slt, %add3A_308, %lt3A_309 : i32
    %convert_element_type3A_311 = arith.extui %lt3A_310 : i1 to i32
    %cond3A_312 = arith.constant 0 : i32
    %cond3A_313 = arith.cmpi ne, %convert_element_type3A_311, %cond3A_312 : i32
    scf.if %cond3A_313 {
      %mul3A_335 = arith.constant 80 : i32
      %mul3A_336 = arith.muli %add3A_308, %mul3A_335 : i32
      %multiple_of3A = tpu.assume_multiple %mul3A_336, 80 : i32
      "tpu.region"() ({
        %run_scoped3A_337 = tpu.sem_alloc : memref<!tpu.dma_semaphore, #tpu.memory_space<semaphore_mem>>
        %dma_start3A_338 = arith.constant 0 : i32
        %dma_start3A_339 = tpu.memref_slice %arg5[%arg0, %multiple_of3A, %dma_start3A_338] : memref<2x10000x128xf32, #tpu.memory_space<hbm>> -> memref<1x80x128xf32, #tpu.memory_space<hbm>>
        %dma_start3A_340 = tpu.memref_squeeze %dma_start3A_339 : memref<1x80x128xf32, #tpu.memory_space<hbm>> -> memref<80x128xf32, #tpu.memory_space<hbm>>
        %dma_start3A_341 = arith.constant 0 : i32
        %dma_start3A_342 = tpu.memref_slice %arg13[%multiple_of3A, %dma_start3A_341] : memref<10000x128xf32, #tpu.memory_space<vmem_shared>> -> memref<80x128xf32, #tpu.memory_space<vmem_shared>>
        tpu.enqueue_dma source(%dma_start3A_342 : memref<80x128xf32, #tpu.memory_space<vmem_shared>>) target(%dma_start3A_340 : memref<80x128xf32, #tpu.memory_space<hbm>>) target_semaphore(%run_scoped3A_337 : memref<!tpu.dma_semaphore, #tpu.memory_space<semaphore_mem>>)
        %dma_wait3A_343 = arith.constant 0 : i32
        %dma_wait3A_344 = tpu.memref_slice %arg5[%arg0, %multiple_of3A, %dma_wait3A_343] : memref<2x10000x128xf32, #tpu.memory_space<hbm>> -> memref<1x80x128xf32, #tpu.memory_space<hbm>>
        %dma_wait3A_345 = tpu.memref_squeeze %dma_wait3A_344 : memref<1x80x128xf32, #tpu.memory_space<hbm>> -> memref<80x128xf32, #tpu.memory_space<hbm>>
        %dma_wait3A_346 = arith.constant 0 : i32
        %dma_wait3A_347 = tpu.memref_slice %arg13[%multiple_of3A, %dma_wait3A_346] : memref<10000x128xf32, #tpu.memory_space<vmem_shared>> -> memref<80x128xf32, #tpu.memory_space<vmem_shared>>
        tpu.wait_dma2 semaphore(%run_scoped3A_337 : memref<!tpu.dma_semaphore, #tpu.memory_space<semaphore_mem>>) src(%dma_wait3A_347 : memref<80x128xf32, #tpu.memory_space<vmem_shared>>) dst(%dma_wait3A_345 : memref<80x128xf32, #tpu.memory_space<hbm>>)
        tpu.yield
      }) : () -> ()
    } else {
    }
    %add3A_314 = arith.constant 80 : i32
    %add3A_315 = arith.addi %add3A_314, %arg1 : i32
    %lt3A_316 = arith.constant 125 : i32
    %lt3A_317 = arith.cmpi slt, %add3A_315, %lt3A_316 : i32
    %convert_element_type3A_318 = arith.extui %lt3A_317 : i1 to i32
    %cond3A_319 = arith.constant 0 : i32
    %cond3A_320 = arith.cmpi ne, %convert_element_type3A_318, %cond3A_319 : i32
    scf.if %cond3A_320 {
      %mul3A_335 = arith.constant 80 : i32
      %mul3A_336 = arith.muli %add3A_315, %mul3A_335 : i32
      %multiple_of3A = tpu.assume_multiple %mul3A_336, 80 : i32
      "tpu.region"() ({
        %run_scoped3A_337 = tpu.sem_alloc : memref<!tpu.dma_semaphore, #tpu.memory_space<semaphore_mem>>
        %dma_start3A_338 = arith.constant 0 : i32
        %dma_start3A_339 = tpu.memref_slice %arg5[%arg0, %multiple_of3A, %dma_start3A_338] : memref<2x10000x128xf32, #tpu.memory_space<hbm>> -> memref<1x80x128xf32, #tpu.memory_space<hbm>>
        %dma_start3A_340 = tpu.memref_squeeze %dma_start3A_339 : memref<1x80x128xf32, #tpu.memory_space<hbm>> -> memref<80x128xf32, #tpu.memory_space<hbm>>
        %dma_start3A_341 = arith.constant 0 : i32
        %dma_start3A_342 = tpu.memref_slice %arg13[%multiple_of3A, %dma_start3A_341] : memref<10000x128xf32, #tpu.memory_space<vmem_shared>> -> memref<80x128xf32, #tpu.memory_space<vmem_shared>>
        tpu.enqueue_dma source(%dma_start3A_342 : memref<80x128xf32, #tpu.memory_space<vmem_shared>>) target(%dma_start3A_340 : memref<80x128xf32, #tpu.memory_space<hbm>>) target_semaphore(%run_scoped3A_337 : memref<!tpu.dma_semaphore, #tpu.memory_space<semaphore_mem>>)
        %dma_wait3A_343 = arith.constant 0 : i32
        %dma_wait3A_344 = tpu.memref_slice %arg5[%arg0, %multiple_of3A, %dma_wait3A_343] : memref<2x10000x128xf32, #tpu.memory_space<hbm>> -> memref<1x80x128xf32, #tpu.memory_space<hbm>>
        %dma_wait3A_345 = tpu.memref_squeeze %dma_wait3A_344 : memref<1x80x128xf32, #tpu.memory_space<hbm>> -> memref<80x128xf32, #tpu.memory_space<hbm>>
        %dma_wait3A_346 = arith.constant 0 : i32
        %dma_wait3A_347 = tpu.memref_slice %arg13[%multiple_of3A, %dma_wait3A_346] : memref<10000x128xf32, #tpu.memory_space<vmem_shared>> -> memref<80x128xf32, #tpu.memory_space<vmem_shared>>
        tpu.wait_dma2 semaphore(%run_scoped3A_337 : memref<!tpu.dma_semaphore, #tpu.memory_space<semaphore_mem>>) src(%dma_wait3A_347 : memref<80x128xf32, #tpu.memory_space<vmem_shared>>) dst(%dma_wait3A_345 : memref<80x128xf32, #tpu.memory_space<hbm>>)
        tpu.yield
      }) : () -> ()
    } else {
    }
    %add3A_321 = arith.constant 96 : i32
    %add3A_322 = arith.addi %add3A_321, %arg1 : i32
    %lt3A_323 = arith.constant 125 : i32
    %lt3A_324 = arith.cmpi slt, %add3A_322, %lt3A_323 : i32
    %convert_element_type3A_325 = arith.extui %lt3A_324 : i1 to i32
    %cond3A_326 = arith.constant 0 : i32
    %cond3A_327 = arith.cmpi ne, %convert_element_type3A_325, %cond3A_326 : i32
    scf.if %cond3A_327 {
      %mul3A_335 = arith.constant 80 : i32
      %mul3A_336 = arith.muli %add3A_322, %mul3A_335 : i32
      %multiple_of3A = tpu.assume_multiple %mul3A_336, 80 : i32
      "tpu.region"() ({
        %run_scoped3A_337 = tpu.sem_alloc : memref<!tpu.dma_semaphore, #tpu.memory_space<semaphore_mem>>
        %dma_start3A_338 = arith.constant 0 : i32
        %dma_start3A_339 = tpu.memref_slice %arg5[%arg0, %multiple_of3A, %dma_start3A_338] : memref<2x10000x128xf32, #tpu.memory_space<hbm>> -> memref<1x80x128xf32, #tpu.memory_space<hbm>>
        %dma_start3A_340 = tpu.memref_squeeze %dma_start3A_339 : memref<1x80x128xf32, #tpu.memory_space<hbm>> -> memref<80x128xf32, #tpu.memory_space<hbm>>
        %dma_start3A_341 = arith.constant 0 : i32
        %dma_start3A_342 = tpu.memref_slice %arg13[%multiple_of3A, %dma_start3A_341] : memref<10000x128xf32, #tpu.memory_space<vmem_shared>> -> memref<80x128xf32, #tpu.memory_space<vmem_shared>>
        tpu.enqueue_dma source(%dma_start3A_342 : memref<80x128xf32, #tpu.memory_space<vmem_shared>>) target(%dma_start3A_340 : memref<80x128xf32, #tpu.memory_space<hbm>>) target_semaphore(%run_scoped3A_337 : memref<!tpu.dma_semaphore, #tpu.memory_space<semaphore_mem>>)
        %dma_wait3A_343 = arith.constant 0 : i32
        %dma_wait3A_344 = tpu.memref_slice %arg5[%arg0, %multiple_of3A, %dma_wait3A_343] : memref<2x10000x128xf32, #tpu.memory_space<hbm>> -> memref<1x80x128xf32, #tpu.memory_space<hbm>>
        %dma_wait3A_345 = tpu.memref_squeeze %dma_wait3A_344 : memref<1x80x128xf32, #tpu.memory_space<hbm>> -> memref<80x128xf32, #tpu.memory_space<hbm>>
        %dma_wait3A_346 = arith.constant 0 : i32
        %dma_wait3A_347 = tpu.memref_slice %arg13[%multiple_of3A, %dma_wait3A_346] : memref<10000x128xf32, #tpu.memory_space<vmem_shared>> -> memref<80x128xf32, #tpu.memory_space<vmem_shared>>
        tpu.wait_dma2 semaphore(%run_scoped3A_337 : memref<!tpu.dma_semaphore, #tpu.memory_space<semaphore_mem>>) src(%dma_wait3A_347 : memref<80x128xf32, #tpu.memory_space<vmem_shared>>) dst(%dma_wait3A_345 : memref<80x128xf32, #tpu.memory_space<hbm>>)
        tpu.yield
      }) : () -> ()
    } else {
    }
    %add3A_328 = arith.constant 112 : i32
    %add3A_329 = arith.addi %add3A_328, %arg1 : i32
    %lt3A_330 = arith.constant 125 : i32
    %lt3A_331 = arith.cmpi slt, %add3A_329, %lt3A_330 : i32
    %convert_element_type3A_332 = arith.extui %lt3A_331 : i1 to i32
    %cond3A_333 = arith.constant 0 : i32
    %cond3A_334 = arith.cmpi ne, %convert_element_type3A_332, %cond3A_333 : i32
    scf.if %cond3A_334 {
      %mul3A_335 = arith.constant 80 : i32
      %mul3A_336 = arith.muli %add3A_329, %mul3A_335 : i32
      %multiple_of3A = tpu.assume_multiple %mul3A_336, 80 : i32
      "tpu.region"() ({
        %run_scoped3A_337 = tpu.sem_alloc : memref<!tpu.dma_semaphore, #tpu.memory_space<semaphore_mem>>
        %dma_start3A_338 = arith.constant 0 : i32
        %dma_start3A_339 = tpu.memref_slice %arg5[%arg0, %multiple_of3A, %dma_start3A_338] : memref<2x10000x128xf32, #tpu.memory_space<hbm>> -> memref<1x80x128xf32, #tpu.memory_space<hbm>>
        %dma_start3A_340 = tpu.memref_squeeze %dma_start3A_339 : memref<1x80x128xf32, #tpu.memory_space<hbm>> -> memref<80x128xf32, #tpu.memory_space<hbm>>
        %dma_start3A_341 = arith.constant 0 : i32
        %dma_start3A_342 = tpu.memref_slice %arg13[%multiple_of3A, %dma_start3A_341] : memref<10000x128xf32, #tpu.memory_space<vmem_shared>> -> memref<80x128xf32, #tpu.memory_space<vmem_shared>>
        tpu.enqueue_dma source(%dma_start3A_342 : memref<80x128xf32, #tpu.memory_space<vmem_shared>>) target(%dma_start3A_340 : memref<80x128xf32, #tpu.memory_space<hbm>>) target_semaphore(%run_scoped3A_337 : memref<!tpu.dma_semaphore, #tpu.memory_space<semaphore_mem>>)
        %dma_wait3A_343 = arith.constant 0 : i32
        %dma_wait3A_344 = tpu.memref_slice %arg5[%arg0, %multiple_of3A, %dma_wait3A_343] : memref<2x10000x128xf32, #tpu.memory_space<hbm>> -> memref<1x80x128xf32, #tpu.memory_space<hbm>>
        %dma_wait3A_345 = tpu.memref_squeeze %dma_wait3A_344 : memref<1x80x128xf32, #tpu.memory_space<hbm>> -> memref<80x128xf32, #tpu.memory_space<hbm>>
        %dma_wait3A_346 = arith.constant 0 : i32
        %dma_wait3A_347 = tpu.memref_slice %arg13[%multiple_of3A, %dma_wait3A_346] : memref<10000x128xf32, #tpu.memory_space<vmem_shared>> -> memref<80x128xf32, #tpu.memory_space<vmem_shared>>
        tpu.wait_dma2 semaphore(%run_scoped3A_337 : memref<!tpu.dma_semaphore, #tpu.memory_space<semaphore_mem>>) src(%dma_wait3A_347 : memref<80x128xf32, #tpu.memory_space<vmem_shared>>) dst(%dma_wait3A_345 : memref<80x128xf32, #tpu.memory_space<hbm>>)
        tpu.yield
      }) : () -> ()
    } else {
    }
    return
  }
}

module attributes {stable_mosaic.version = 14 : i64} {
  func.func @_add_body(%arg0: i32, %arg1: memref<2x2000x128xf32, #tpu.memory_space<vmem>>, %arg2: memref<2000x128xf32, #tpu.memory_space<vmem>>) attributes {dimension_semantics = [#tpu.dimension_semantics<arbitrary>], iteration_bounds = array<i64: 5>, scalar_prefetch = 0 : i64, scratch_operands = 0 : i64, tpu.core_type = #tpu.core_type<tc>, window_params = [{transform_indices = @transform_0, window_bounds = array<i64: 2, 2000, 128>}, {transform_indices = @transform_1, window_bounds = array<i64: 2000, 128>}]} {
    %get3A = arith.constant 0 : index
    %get3A_0 = arith.constant 0 : index
    %get3A_1 = arith.constant 0 : index
    %get3A_2 = vector.load %arg1[%get3A, %get3A_0, %get3A_1] : memref<2x2000x128xf32, #tpu.memory_space<vmem>>, vector<1x2000x128xf32>
    %get3A_3 = vector.shape_cast %get3A_2 : vector<1x2000x128xf32> to vector<2000x128xf32>
    %get3A_4 = arith.constant 1 : index
    %get3A_5 = arith.constant 0 : index
    %get3A_6 = arith.constant 0 : index
    %get3A_7 = vector.load %arg1[%get3A_4, %get3A_5, %get3A_6] : memref<2x2000x128xf32, #tpu.memory_space<vmem>>, vector<1x2000x128xf32>
    %get3A_8 = vector.shape_cast %get3A_7 : vector<1x2000x128xf32> to vector<2000x128xf32>
    %add3A = arith.addf %get3A_3, %get3A_8 : vector<2000x128xf32>
    %swap3A = arith.constant 0 : index
    %swap3A_9 = arith.constant 0 : index
    %swap3A_10 = vector.load %arg2[%swap3A, %swap3A_9] : memref<2000x128xf32, #tpu.memory_space<vmem>>, vector<2000x128xf32>
    tpu.vector_store %arg2[%swap3A, %swap3A_9], %add3A {strides = array<i32>} : memref<2000x128xf32, #tpu.memory_space<vmem>>, vector<2000x128xf32>,
    return
  }
  func.func @transform_0(%arg0: i32) -> (i32, i32, i32) {
    %c0_i32 = arith.constant 0 : i32
    %c0_i32_0 = arith.constant 0 : i32
    %c0_i32_1 = arith.constant 0 : i32
    return %c0_i32, %arg0, %c0_i32_0 : i32, i32, i32
  }
  func.func @transform_1(%arg0: i32) -> (i32, i32) {
    %c0_i32 = arith.constant 0 : i32
    %c0_i32_0 = arith.constant 0 : i32
    return %arg0, %c0_i32 : i32, i32
  }
}

module attributes {stable_mosaic.version = 14 : i64} {
  func.func @_proj_body(%arg0: i32, %arg1: memref<2000x128xf32, #tpu.memory_space<vmem>>, %arg2: memref<7x128x128xf32, #tpu.memory_space<vmem>>, %arg3: memref<2x2500x128xi32, #tpu.memory_space<vmem>>, %arg4: memref<2500x128xi32, #tpu.memory_space<vmem>>, %arg5: memref<7x2000x128xf32, #tpu.memory_space<vmem>>, %arg6: memref<2500x128xi32, #tpu.memory_space<vmem>>, %arg7: memref<2500x128xi32, #tpu.memory_space<vmem>>) attributes {dimension_semantics = [#tpu.dimension_semantics<arbitrary>], iteration_bounds = array<i64: 5>, scalar_prefetch = 0 : i64, scratch_operands = 0 : i64, tpu.core_type = #tpu.core_type<tc>, window_params = [{transform_indices = @transform_0, window_bounds = array<i64: 2000, 128>}, {pipeline_mode = #tpu.pipeline_mode<synchronous>, transform_indices = @transform_1, window_bounds = array<i64: 7, 128, 128>}, {pipeline_mode = #tpu.pipeline_mode<synchronous>, transform_indices = @transform_2, window_bounds = array<i64: 2, 2500, 128>}, {pipeline_mode = #tpu.pipeline_mode<synchronous>, transform_indices = @transform_3, window_bounds = array<i64: 2500, 128>}, {transform_indices = @transform_4, window_bounds = array<i64: 7, 2000, 128>}, {pipeline_mode = #tpu.pipeline_mode<synchronous>, transform_indices = @transform_5, window_bounds = array<i64: 2500, 128>}, {pipeline_mode = #tpu.pipeline_mode<synchronous>, transform_indices = @transform_6, window_bounds = array<i64: 2500, 128>}]} {
    %get3A = arith.constant 0 : index
    %get3A_0 = arith.constant 0 : index
    %get3A_1 = vector.load %arg1[%get3A, %get3A_0] : memref<2000x128xf32, #tpu.memory_space<vmem>>, vector<2000x128xf32>
    %get3A_2 = arith.constant 0 : index
    %get3A_3 = arith.constant 0 : index
    %get3A_4 = arith.constant 0 : index
    %get3A_5 = vector.load %arg2[%get3A_2, %get3A_3, %get3A_4] : memref<7x128x128xf32, #tpu.memory_space<vmem>>, vector<1x128x128xf32>
    %get3A_6 = vector.shape_cast %get3A_5 : vector<1x128x128xf32> to vector<128x128xf32>
    %dot_general3A = arith.constant dense<0.000000e+00> : vector<2000x128xf32>
    %dot_general3A_7 = tpu.matmul %get3A_1, %get3A_6, %dot_general3A {dimension_numbers = #tpu.dot_dimension_numbers<[1], [0], [0], [1], [0, 0, 1, 1], [], []>, transpose_lhs_hint = false} : vector<2000x128xf32>, vector<128x128xf32>, vector<2000x128xf32> -> vector<2000x128xf32>
    %mul3A = arith.constant 0.0126269069 : f32
    %mul3A_8 = vector.broadcast %mul3A : f32 to vector<2000x128xf32>
    %mul3A_9 = arith.mulf %dot_general3A_7, %mul3A_8 : vector<2000x128xf32>
    %swap3A = arith.constant 0 : index
    %swap3A_10 = arith.constant 0 : index
    %swap3A_11 = arith.constant 0 : index
    %swap3A_12 = vector.load %arg5[%swap3A, %swap3A_10, %swap3A_11] : memref<7x2000x128xf32, #tpu.memory_space<vmem>>, vector<1x2000x128xf32>
    %swap3A_13 = vector.shape_cast %swap3A_12 : vector<1x2000x128xf32> to vector<2000x128xf32>
    %swap3A_14 = vector.shape_cast %mul3A_9 : vector<2000x128xf32> to vector<1x2000x128xf32>
    tpu.vector_store %arg5[%swap3A, %swap3A_10, %swap3A_11], %swap3A_14 {strides = array<i32>} : memref<7x2000x128xf32, #tpu.memory_space<vmem>>, vector<1x2000x128xf32>,
    %get3A_15 = arith.constant 1 : index
    %get3A_16 = arith.constant 0 : index
    %get3A_17 = arith.constant 0 : index
    %get3A_18 = vector.load %arg2[%get3A_15, %get3A_16, %get3A_17] : memref<7x128x128xf32, #tpu.memory_space<vmem>>, vector<1x128x128xf32>
    %get3A_19 = vector.shape_cast %get3A_18 : vector<1x128x128xf32> to vector<128x128xf32>
    %dot_general3A_20 = arith.constant dense<0.000000e+00> : vector<2000x128xf32>
    %dot_general3A_21 = tpu.matmul %get3A_1, %get3A_19, %dot_general3A_20 {dimension_numbers = #tpu.dot_dimension_numbers<[1], [0], [0], [1], [0, 0, 1, 1], [], []>, transpose_lhs_hint = false} : vector<2000x128xf32>, vector<128x128xf32>, vector<2000x128xf32> -> vector<2000x128xf32>
    %mul3A_22 = arith.constant 0.0126269069 : f32
    %mul3A_23 = vector.broadcast %mul3A_22 : f32 to vector<2000x128xf32>
    %mul3A_24 = arith.mulf %dot_general3A_21, %mul3A_23 : vector<2000x128xf32>
    %swap3A_25 = arith.constant 1 : index
    %swap3A_26 = arith.constant 0 : index
    %swap3A_27 = arith.constant 0 : index
    %swap3A_28 = vector.load %arg5[%swap3A_25, %swap3A_26, %swap3A_27] : memref<7x2000x128xf32, #tpu.memory_space<vmem>>, vector<1x2000x128xf32>
    %swap3A_29 = vector.shape_cast %swap3A_28 : vector<1x2000x128xf32> to vector<2000x128xf32>
    %swap3A_30 = vector.shape_cast %mul3A_24 : vector<2000x128xf32> to vector<1x2000x128xf32>
    tpu.vector_store %arg5[%swap3A_25, %swap3A_26, %swap3A_27], %swap3A_30 {strides = array<i32>} : memref<7x2000x128xf32, #tpu.memory_space<vmem>>, vector<1x2000x128xf32>,
    %get3A_31 = arith.constant 2 : index
    %get3A_32 = arith.constant 0 : index
    %get3A_33 = arith.constant 0 : index
    %get3A_34 = vector.load %arg2[%get3A_31, %get3A_32, %get3A_33] : memref<7x128x128xf32, #tpu.memory_space<vmem>>, vector<1x128x128xf32>
    %get3A_35 = vector.shape_cast %get3A_34 : vector<1x128x128xf32> to vector<128x128xf32>
    %dot_general3A_36 = arith.constant dense<0.000000e+00> : vector<2000x128xf32>
    %dot_general3A_37 = tpu.matmul %get3A_1, %get3A_35, %dot_general3A_36 {dimension_numbers = #tpu.dot_dimension_numbers<[1], [0], [0], [1], [0, 0, 1, 1], [], []>, transpose_lhs_hint = false} : vector<2000x128xf32>, vector<128x128xf32>, vector<2000x128xf32> -> vector<2000x128xf32>
    %mul3A_38 = arith.constant 0.0126269069 : f32
    %mul3A_39 = vector.broadcast %mul3A_38 : f32 to vector<2000x128xf32>
    %mul3A_40 = arith.mulf %dot_general3A_37, %mul3A_39 : vector<2000x128xf32>
    %swap3A_41 = arith.constant 2 : index
    %swap3A_42 = arith.constant 0 : index
    %swap3A_43 = arith.constant 0 : index
    %swap3A_44 = vector.load %arg5[%swap3A_41, %swap3A_42, %swap3A_43] : memref<7x2000x128xf32, #tpu.memory_space<vmem>>, vector<1x2000x128xf32>
    %swap3A_45 = vector.shape_cast %swap3A_44 : vector<1x2000x128xf32> to vector<2000x128xf32>
    %swap3A_46 = vector.shape_cast %mul3A_40 : vector<2000x128xf32> to vector<1x2000x128xf32>
    tpu.vector_store %arg5[%swap3A_41, %swap3A_42, %swap3A_43], %swap3A_46 {strides = array<i32>} : memref<7x2000x128xf32, #tpu.memory_space<vmem>>, vector<1x2000x128xf32>,
    %get3A_47 = arith.constant 3 : index
    %get3A_48 = arith.constant 0 : index
    %get3A_49 = arith.constant 0 : index
    %get3A_50 = vector.load %arg2[%get3A_47, %get3A_48, %get3A_49] : memref<7x128x128xf32, #tpu.memory_space<vmem>>, vector<1x128x128xf32>
    %get3A_51 = vector.shape_cast %get3A_50 : vector<1x128x128xf32> to vector<128x128xf32>
    %dot_general3A_52 = arith.constant dense<0.000000e+00> : vector<2000x128xf32>
    %dot_general3A_53 = tpu.matmul %get3A_1, %get3A_51, %dot_general3A_52 {dimension_numbers = #tpu.dot_dimension_numbers<[1], [0], [0], [1], [0, 0, 1, 1], [], []>, transpose_lhs_hint = false} : vector<2000x128xf32>, vector<128x128xf32>, vector<2000x128xf32> -> vector<2000x128xf32>
    %mul3A_54 = arith.constant 0.0126269069 : f32
    %mul3A_55 = vector.broadcast %mul3A_54 : f32 to vector<2000x128xf32>
    %mul3A_56 = arith.mulf %dot_general3A_53, %mul3A_55 : vector<2000x128xf32>
    %swap3A_57 = arith.constant 3 : index
    %swap3A_58 = arith.constant 0 : index
    %swap3A_59 = arith.constant 0 : index
    %swap3A_60 = vector.load %arg5[%swap3A_57, %swap3A_58, %swap3A_59] : memref<7x2000x128xf32, #tpu.memory_space<vmem>>, vector<1x2000x128xf32>
    %swap3A_61 = vector.shape_cast %swap3A_60 : vector<1x2000x128xf32> to vector<2000x128xf32>
    %swap3A_62 = vector.shape_cast %mul3A_56 : vector<2000x128xf32> to vector<1x2000x128xf32>
    tpu.vector_store %arg5[%swap3A_57, %swap3A_58, %swap3A_59], %swap3A_62 {strides = array<i32>} : memref<7x2000x128xf32, #tpu.memory_space<vmem>>, vector<1x2000x128xf32>,
    %get3A_63 = arith.constant 4 : index
    %get3A_64 = arith.constant 0 : index
    %get3A_65 = arith.constant 0 : index
    %get3A_66 = vector.load %arg2[%get3A_63, %get3A_64, %get3A_65] : memref<7x128x128xf32, #tpu.memory_space<vmem>>, vector<1x128x128xf32>
    %get3A_67 = vector.shape_cast %get3A_66 : vector<1x128x128xf32> to vector<128x128xf32>
    %dot_general3A_68 = arith.constant dense<0.000000e+00> : vector<2000x128xf32>
    %dot_general3A_69 = tpu.matmul %get3A_1, %get3A_67, %dot_general3A_68 {dimension_numbers = #tpu.dot_dimension_numbers<[1], [0], [0], [1], [0, 0, 1, 1], [], []>, transpose_lhs_hint = false} : vector<2000x128xf32>, vector<128x128xf32>, vector<2000x128xf32> -> vector<2000x128xf32>
    %mul3A_70 = arith.constant 0.0126269069 : f32
    %mul3A_71 = vector.broadcast %mul3A_70 : f32 to vector<2000x128xf32>
    %mul3A_72 = arith.mulf %dot_general3A_69, %mul3A_71 : vector<2000x128xf32>
    %swap3A_73 = arith.constant 4 : index
    %swap3A_74 = arith.constant 0 : index
    %swap3A_75 = arith.constant 0 : index
    %swap3A_76 = vector.load %arg5[%swap3A_73, %swap3A_74, %swap3A_75] : memref<7x2000x128xf32, #tpu.memory_space<vmem>>, vector<1x2000x128xf32>
    %swap3A_77 = vector.shape_cast %swap3A_76 : vector<1x2000x128xf32> to vector<2000x128xf32>
    %swap3A_78 = vector.shape_cast %mul3A_72 : vector<2000x128xf32> to vector<1x2000x128xf32>
    tpu.vector_store %arg5[%swap3A_73, %swap3A_74, %swap3A_75], %swap3A_78 {strides = array<i32>} : memref<7x2000x128xf32, #tpu.memory_space<vmem>>, vector<1x2000x128xf32>,
    %get3A_79 = arith.constant 5 : index
    %get3A_80 = arith.constant 0 : index
    %get3A_81 = arith.constant 0 : index
    %get3A_82 = vector.load %arg2[%get3A_79, %get3A_80, %get3A_81] : memref<7x128x128xf32, #tpu.memory_space<vmem>>, vector<1x128x128xf32>
    %get3A_83 = vector.shape_cast %get3A_82 : vector<1x128x128xf32> to vector<128x128xf32>
    %dot_general3A_84 = arith.constant dense<0.000000e+00> : vector<2000x128xf32>
    %dot_general3A_85 = tpu.matmul %get3A_1, %get3A_83, %dot_general3A_84 {dimension_numbers = #tpu.dot_dimension_numbers<[1], [0], [0], [1], [0, 0, 1, 1], [], []>, transpose_lhs_hint = false} : vector<2000x128xf32>, vector<128x128xf32>, vector<2000x128xf32> -> vector<2000x128xf32>
    %mul3A_86 = arith.constant 0.0126269069 : f32
    %mul3A_87 = vector.broadcast %mul3A_86 : f32 to vector<2000x128xf32>
    %mul3A_88 = arith.mulf %dot_general3A_85, %mul3A_87 : vector<2000x128xf32>
    %swap3A_89 = arith.constant 5 : index
    %swap3A_90 = arith.constant 0 : index
    %swap3A_91 = arith.constant 0 : index
    %swap3A_92 = vector.load %arg5[%swap3A_89, %swap3A_90, %swap3A_91] : memref<7x2000x128xf32, #tpu.memory_space<vmem>>, vector<1x2000x128xf32>
    %swap3A_93 = vector.shape_cast %swap3A_92 : vector<1x2000x128xf32> to vector<2000x128xf32>
    %swap3A_94 = vector.shape_cast %mul3A_88 : vector<2000x128xf32> to vector<1x2000x128xf32>
    tpu.vector_store %arg5[%swap3A_89, %swap3A_90, %swap3A_91], %swap3A_94 {strides = array<i32>} : memref<7x2000x128xf32, #tpu.memory_space<vmem>>, vector<1x2000x128xf32>,
    %get3A_95 = arith.constant 6 : index
    %get3A_96 = arith.constant 0 : index
    %get3A_97 = arith.constant 0 : index
    %get3A_98 = vector.load %arg2[%get3A_95, %get3A_96, %get3A_97] : memref<7x128x128xf32, #tpu.memory_space<vmem>>, vector<1x128x128xf32>
    %get3A_99 = vector.shape_cast %get3A_98 : vector<1x128x128xf32> to vector<128x128xf32>
    %dot_general3A_100 = arith.constant dense<0.000000e+00> : vector<2000x128xf32>
    %dot_general3A_101 = tpu.matmul %get3A_1, %get3A_99, %dot_general3A_100 {dimension_numbers = #tpu.dot_dimension_numbers<[1], [0], [0], [1], [0, 0, 1, 1], [], []>, transpose_lhs_hint = false} : vector<2000x128xf32>, vector<128x128xf32>, vector<2000x128xf32> -> vector<2000x128xf32>
    %mul3A_102 = arith.constant 0.0126269069 : f32
    %mul3A_103 = vector.broadcast %mul3A_102 : f32 to vector<2000x128xf32>
    %mul3A_104 = arith.mulf %dot_general3A_101, %mul3A_103 : vector<2000x128xf32>
    %swap3A_105 = arith.constant 6 : index
    %swap3A_106 = arith.constant 0 : index
    %swap3A_107 = arith.constant 0 : index
    %swap3A_108 = vector.load %arg5[%swap3A_105, %swap3A_106, %swap3A_107] : memref<7x2000x128xf32, #tpu.memory_space<vmem>>, vector<1x2000x128xf32>
    %swap3A_109 = vector.shape_cast %swap3A_108 : vector<1x2000x128xf32> to vector<2000x128xf32>
    %swap3A_110 = vector.shape_cast %mul3A_104 : vector<2000x128xf32> to vector<1x2000x128xf32>
    tpu.vector_store %arg5[%swap3A_105, %swap3A_106, %swap3A_107], %swap3A_110 {strides = array<i32>} : memref<7x2000x128xf32, #tpu.memory_space<vmem>>, vector<1x2000x128xf32>,
    %eq3A = arith.constant 0 : i32
    %eq3A_111 = arith.cmpi eq, %arg0, %eq3A : i32
    %convert_element_type3A = arith.extui %eq3A_111 : i1 to i32
    %cond3A = arith.constant 0 : i32
    %cond3A_112 = arith.cmpi ne, %convert_element_type3A, %cond3A : i32
    scf.if %cond3A_112 {
      %get3A_113 = arith.constant 0 : index
      %get3A_114 = arith.constant 0 : index
      %get3A_115 = vector.load %arg4[%get3A_113, %get3A_114] : memref<2500x128xi32, #tpu.memory_space<vmem>>, vector<2500x128xi32>
      %mul3A_116 = arith.constant 10000 : i32
      %mul3A_117 = vector.broadcast %mul3A_116 : i32 to vector<2500x128xi32>
      %mul3A_118 = arith.muli %get3A_115, %mul3A_117 : vector<2500x128xi32>
      %get3A_119 = arith.constant 1 : index
      %get3A_120 = arith.constant 0 : index
      %get3A_121 = arith.constant 0 : index
      %get3A_122 = vector.load %arg3[%get3A_119, %get3A_120, %get3A_121] : memref<2x2500x128xi32, #tpu.memory_space<vmem>>, vector<1x2500x128xi32>
      %get3A_123 = vector.shape_cast %get3A_122 : vector<1x2500x128xi32> to vector<2500x128xi32>
      %add3A = arith.addi %mul3A_118, %get3A_123 : vector<2500x128xi32>
      %swap3A_124 = arith.constant 0 : index
      %swap3A_125 = arith.constant 0 : index
      %swap3A_126 = vector.load %arg6[%swap3A_124, %swap3A_125] : memref<2500x128xi32, #tpu.memory_space<vmem>>, vector<2500x128xi32>
      tpu.vector_store %arg6[%swap3A_124, %swap3A_125], %add3A {strides = array<i32>} : memref<2500x128xi32, #tpu.memory_space<vmem>>, vector<2500x128xi32>,
      %get3A_127 = arith.constant 0 : index
      %get3A_128 = arith.constant 0 : index
      %get3A_129 = arith.constant 0 : index
      %get3A_130 = vector.load %arg3[%get3A_127, %get3A_128, %get3A_129] : memref<2x2500x128xi32, #tpu.memory_space<vmem>>, vector<1x2500x128xi32>
      %get3A_131 = vector.shape_cast %get3A_130 : vector<1x2500x128xi32> to vector<2500x128xi32>
      %swap3A_132 = arith.constant 0 : index
      %swap3A_133 = arith.constant 0 : index
      %swap3A_134 = vector.load %arg7[%swap3A_132, %swap3A_133] : memref<2500x128xi32, #tpu.memory_space<vmem>>, vector<2500x128xi32>
      tpu.vector_store %arg7[%swap3A_132, %swap3A_133], %get3A_131 {strides = array<i32>} : memref<2500x128xi32, #tpu.memory_space<vmem>>, vector<2500x128xi32>,
    } else {
    }
    return
  }
  func.func @transform_0(%arg0: i32) -> (i32, i32) {
    %c0_i32 = arith.constant 0 : i32
    %c0_i32_0 = arith.constant 0 : i32
    return %arg0, %c0_i32 : i32, i32
  }
  func.func @transform_1(%arg0: i32) -> (i32, i32, i32) {
    %c0_i32 = arith.constant 0 : i32
    %c0_i32_0 = arith.constant 0 : i32
    %c0_i32_1 = arith.constant 0 : i32
    %c0_i32_2 = arith.constant 0 : i32
    return %c0_i32, %c0_i32_0, %c0_i32_1 : i32, i32, i32
  }
  func.func @transform_2(%arg0: i32) -> (i32, i32, i32) {
    %c0_i32 = arith.constant 0 : i32
    %c0_i32_0 = arith.constant 0 : i32
    %c0_i32_1 = arith.constant 0 : i32
    %c0_i32_2 = arith.constant 0 : i32
    return %c0_i32, %c0_i32_0, %c0_i32_1 : i32, i32, i32
  }
  func.func @transform_3(%arg0: i32) -> (i32, i32) {
    %c0_i32 = arith.constant 0 : i32
    %c0_i32_0 = arith.constant 0 : i32
    %c0_i32_1 = arith.constant 0 : i32
    return %c0_i32, %c0_i32_0 : i32, i32
  }
  func.func @transform_4(%arg0: i32) -> (i32, i32, i32) {
    %c0_i32 = arith.constant 0 : i32
    %c0_i32_0 = arith.constant 0 : i32
    %c0_i32_1 = arith.constant 0 : i32
    return %c0_i32, %arg0, %c0_i32_0 : i32, i32, i32
  }
  func.func @transform_5(%arg0: i32) -> (i32, i32) {
    %c0_i32 = arith.constant 0 : i32
    %c0_i32_0 = arith.constant 0 : i32
    %c0_i32_1 = arith.constant 0 : i32
    return %c0_i32, %c0_i32_0 : i32, i32
  }
  func.func @transform_6(%arg0: i32) -> (i32, i32) {
    %c0_i32 = arith.constant 0 : i32
    %c0_i32_0 = arith.constant 0 : i32
    %c0_i32_1 = arith.constant 0 : i32
    return %c0_i32, %c0_i32_0 : i32, i32
  }
}

</mosaic_0001>

<sc_bundles>
// kernel: kernel.5.cloned.1.call-start
scs
__scs_entry_jumppad:
0x0: {  	(pc) =	sbr.rel $0x88, $3  }
0x1: {  	(tag) =	ssettag $0x0;
	lr =	simm.s32 $0x1  }
0x2: {  	[smem:$0x3F9D] =	sst lr;
	_ =	strace $0xD0000000  }
0x3: {  	_ = 	snop  }
0x4: {  	_ = 	snop  }
0x5: {  	_ = 	snop  }
0x6: {  	_ = 	snop  }
0x7: {  	_ = 	snop  }
__scs_overlays_trampoline_lowered:
0x8: {  	[smem:$0x3FAC] =	sst s0  }
0x9: {  	[smem:$0x3FAD] =	sst s1  }
0xa: {  	[smem:$0x3FAE] =	sst s2  }
0xb: {  	[smem:$0x3FAF] =	sst s3  }
0xc: {  	[smem:$0x3FB0] =	sst s4  }
0xd: {  	[smem:$0x3FB1] =	sst s5  }
0xe: {  	[smem:$0x3FB2] =	sst s6  }
0xf: {  	[smem:$0x3FB3] =	sst s7  }
0x10: {  	[smem:$0x3FB4] =	sst s8  }
0x11: {  	[smem:$0x3FB5] =	sst s9;
	s0 =	simm.s32 @!p0 $0x0  }
0x12: {  	s1 =	sld [smem:$0x3F9B];
	s0 =	simm.s32 @p0 $0x1  }
0x13: {  	[smem:$0x3FB6] =	sst s0;
	s0 =	simm.s32 @!p1 $0x0  }
0x14: {  	s2 =	sld [smem:$0x3F9A];
	s0 =	simm.s32 @p1 $0x1  }
0x15: {  	[smem:$0x3FB7] =	sst s0;
	s0 =	simm.s32 @!p2 $0x0  }
0x16: {  	s3 =	sld [smem:$0x3FDB];
	s0 =	simm.s32 @p2 $0x1  }
0x17: {  	s4 =	simm.s32 $0x1BF5;
	[smem:$0x3FB9] =	sst s0  }
0x18: {  	s0 =	sld [smem:$0x3F9C];
	_ =	swait.ge [sflag:s4], $0x0  }
0x19: {  	s7 =	sld [smem:$0x3F9D]  }
0x1a: {  	s8 =	sadd.s32 $0xFFFFE003, lr  }
0x1b: {  	s9 =	sadd.s32 $0xFFFFFEF7, lr;
	s5 =	simm.s32 $0xFFFFFFFF;
	p2 =	slt.u32 s8, $0xFFFFF086  }
0x1c: {  	p1 =	slt.u32 s9, $0xF7A;
	s5 =	simm.s32 @!p2 $0x0  }
0x1d: {  	s5 =	simm.s32 @p1 $0x1;
	p0 =	seq.s32 s7, s2  }
0x1e: {  	s7 =	smul.u32 @!p0 $0xF7A, s2;
	p2 =	seq.s32 @!p0 s5, $0x0  }
0x1f: {  	s9 =	smul.u32 $0xF7A, s1;
	s8 =	simm.s32 @!p0 $0x1BF5;
	p2 =	por !p2, p0  }
0x20: {  	[sflag:s8] =	ssyncset.s32 @!p0 $0xFFFFF086;
	s6 =	sadd.s32 @!p0 s3, s7;
	s7 =	simm.s32 @!p0 $0x108  }
0x21: {  	s3 =	sadd.s32 s3, s9;
	s6 =	sadd.s32 @!p0 $0x88, s6;
	s7 =	simm.s32 @p2 $0x1082  }
0x22: {  	[simem:s7], [sflag:s8] =	dma.local @!p0 [hbm:s6], $0xF7A  }
0x23: {  	s9 =	sor.u32 $0xD0000000, s2;
	s6 =	simm.s32 $0x108;
	_ =	swait.ge @!p0 [sflag:s8], $0x0  }
0x24: {  	s3 =	sadd.s32 $0x88, s3;
	s6 =	simm.s32 @!p1 $0x1082;
	[sflag:s4] =	ssyncset.s32 $0xFFFFF086  }
0x25: {  	[simem:s6], [sflag:s4] =	dma.local [hbm:s3], $0xF7A  }
0x26: {  	[smem:$0x3F9D] =	sst s1;
	(tag) =	ssettag s2;
	_ =	strace s9  }
0x27: {  	s1 =	sld [smem:$0x3FAD]  }
0x28: {  	s2 =	sld [smem:$0x3FAE]  }
0x29: {  	s4 =	sld [smem:$0x3FB0]  }
0x2a: {  	p0 =	seq.s32 s5, $0x0;
	s5 =	sld [smem:$0x3FB1]  }
0x2b: {  	s6 =	sld [smem:$0x3FB2]  }
0x2c: {  	s7 =	sld [smem:$0x3FB3]  }
0x2d: {  	s3 =	simm.s32 $0x108;
	s8 =	sld [smem:$0x3FB4]  }
0x2e: {  	s3 =	simm.s32 @!p0 $0x1082;
	s9 =	sld [smem:$0x3FB5]  }
0x2f: {  	lr =	sadd.s32 s0, s3;
	s0 =	sld [smem:$0x3FAC]  }
0x30: {  	s3 =	sld [smem:$0x3FAF]  }
0x31: {  	[smem:$0x3FB8] =	sst s10  }
0x32: {  	s10 =	sld [smem:$0x3FB6];
	_ =	sdelay $0x3  }
0x33: {  	p0 =	seq.s32 s10, $0x1;
	s10 =	sld [smem:$0x3FB8];
	_ =	sdelay $0x3  }
0x34: {  	[smem:$0x3FB8] =	sst s10  }
0x35: {  	s10 =	sld [smem:$0x3FB7];
	_ =	sdelay $0x3  }
0x36: {  	p1 =	seq.s32 s10, $0x1;
	s10 =	sld [smem:$0x3FB8];
	_ =	sdelay $0x3  }
0x37: {  	[smem:$0x3FB8] =	sst s10  }
0x38: {  	s10 =	sld [smem:$0x3FB9]  }
0x39: {  	_ = 	snop;
	(pc) =	sbr.ind lr, $3  }
0x3a: {  	_ = 	snop  }
0x3b: {  	_ = 	snop  }
0x3c: {  	p2 =	seq.s32 s10, $0x1;
	s10 =	sld [smem:$0x3FB8]  }
0x3d: {  	_ =	shalt  }
0x3e: {  	_ =	shalt  }
0x3f: {  	_ =	shalt  }
0x40: {  	_ =	shalt  }
0x41: {  	_ =	shalt  }
0x42: {  	_ =	shalt  }
0x43: {  	_ =	shalt  }
0x44: {  	_ =	shalt  }
0x45: {  	_ =	shalt  }
0x46: {  	_ =	shalt  }
0x47: {  	_ =	shalt  }
0x48: {  	_ =	shalt  }
0x49: {  	_ =	shalt  }
0x4a: {  	_ =	shalt  }
0x4b: {  	_ =	shalt  }
0x4c: {  	_ =	shalt  }
0x4d: {  	_ =	shalt  }
0x4e: {  	_ =	shalt  }
0x4f: {  	_ =	shalt  }
0x50: {  	_ =	shalt  }
0x51: {  	_ =	shalt  }
0x52: {  	_ =	shalt  }
0x53: {  	_ =	shalt  }
0x54: {  	_ =	shalt  }
0x55: {  	_ =	shalt  }
0x56: {  	_ =	shalt  }
0x57: {  	_ =	shalt  }
0x58: {  	_ =	shalt  }
0x59: {  	_ =	shalt  }
0x5a: {  	_ =	shalt  }
0x5b: {  	_ =	shalt  }
0x5c: {  	_ =	shalt  }
0x5d: {  	_ =	shalt  }
0x5e: {  	_ =	shalt  }
0x5f: {  	_ =	shalt  }
0x60: {  	_ =	shalt  }
0x61: {  	_ =	shalt  }
0x62: {  	_ =	shalt  }
0x63: {  	_ =	shalt  }
0x64: {  	_ =	shalt  }
0x65: {  	_ =	shalt  }
0x66: {  	_ =	shalt  }
0x67: {  	_ =	shalt  }
0x68: {  	_ =	shalt  }
0x69: {  	_ =	shalt  }
0x6a: {  	_ =	shalt  }
0x6b: {  	_ =	shalt  }
0x6c: {  	_ =	shalt  }
0x6d: {  	_ =	shalt  }
0x6e: {  	_ =	shalt  }
0x6f: {  	_ =	shalt  }
0x70: {  	_ =	shalt  }
0x71: {  	_ =	shalt  }
0x72: {  	_ =	shalt  }
0x73: {  	_ =	shalt  }
0x74: {  	_ =	shalt  }
0x75: {  	_ =	shalt  }
0x76: {  	_ =	shalt  }
0x77: {  	_ =	shalt  }
0x78: {  	_ =	shalt  }
0x79: {  	_ =	shalt  }
0x7a: {  	_ =	shalt  }
0x7b: {  	_ =	shalt  }
0x7c: {  	_ =	shalt  }
0x7d: {  	_ =	shalt  }
0x7e: {  	_ =	shalt  }
0x7f: {  	_ =	shalt  }
0x80: {  	_ =	shalt  }
0x81: {  	_ =	shalt  }
0x82: {  	_ =	shalt  }
0x83: {  	_ =	shalt  }
0x84: {  	_ =	shalt  }
0x85: {  	_ =	shalt  }
0x86: {  	_ =	shalt  }
0x87: {  	_ =	shalt  }
.Lfunc_end0:
.L_simem_size_0:
called_computation_lowered:
.L_overlay_start_0:
0x88: {  	s2 =	sld [smem:$0x3FD9]  }
0x89: {  	s3 =	sld [smem:$0x3FFE];
	_ =	sdelay $0x1  }
0x8a: {  	s1 =	srdreg.scid  }
0x8b: {  	s0 =	sand.u32 $0x1, s1  }
0x8c: {  	s17 =	sshll.u32 s0, $0xA;
	s2 =	sadd.s32 s3, s2  }
0x8d: {  	s2 =	sadd.s32 s2, s17  }
0x8e: {  	[smem:$0x3FC4] =	sst s2  }
0x8f: {  	_ = 	snop  }
0x90: {  	s2 =	sld [smem:$0x3FD0];
	(tm) =	ssettm $0x1  }
0x91: {  	s18 =	sld [smem:$0x3FFB];
	_ =	sdelay $0x3  }
0x92: {  	_ =	strace s18  }
0x93: {  	s3 =	sld [smem:$0x3FFC];
	_ =	sdelay $0x3  }
0x94: {  	_ =	strace s3  }
0x95: {  	s3 =	sld [smem:$0x3FFD];
	_ =	sdelay $0x3  }
0x96: {  	_ =	strace s3  }
0x97: {  	_ =	strace $0x8FFFFFFF  }
0x98: {  	s19 =	sld [smem:$0x3FDB];
	_ =	sdelay $0x1  }
0x99: {  	s4 =	simm.s32 $_scs_section_size  }
0x9a: {  	s5 =	simm.s32 $_size__tile_overlayer_lowered;
	s6 =	simm.s32 $_tile_overlayer_lowered  }
0x9b: {  	s22 =	simm.s32 $0x1BFF;
	s21 =	sshll.u32 s6, $0x1;
	s3 =	sadd.s32 s4, s19  }
0x9c: {  	s7 =	simm.s32 $0x0;
	s20 =	sshll.u32 s5, $0x1;
	s5 =	sadd.s32 s21, s3  }
0x9d: {  	[timem:s7], [sflag:s22] =	dma.local [hbm:s5], s20  }
0x9e: {  	_ =	swait.ge [sflag:s22], s20  }
0x9f: {  	s4 =	ssub.s32 $0x0, s20;
	[sflag:s22] =	ssyncset.done $0x0  }
0xa0: {  	[sflag:s22] =	ssyncadd.s32 s4;
	_ =	sdelay $0x1  }
0xa1: {  	s23 =	simm.s32 $0x1B8B  }
0xa2: {  	_ =	swait.ge [sflag:s23], $0x1  }
0xa3: {  	[sflag:s23] =	ssyncset.done $0x0  }
0xa4: {  	s25 =	simm.s32 $0x1B8E;
	s24 =	sld [smem:$0x3FFE];
	[sflag:s23] =	ssyncadd.s32 $0xFFFFFFFF  }
0xa5: {  	s26 =	simm.s32 $execute0_lowered;
	[smem:$0x3FD2] =	sst s25  }
0xa6: {  	s5 =	sshll.u32 s26, $0x1;
	_ =	strace $0x80000046;
	[dreg:$0x1] =	wrdreg $0xFFFFFFFF  }
0xa7: {  	s28 =	simm.s32 $_size_execute0_lowered;
	s3 =	sadd.s32 s3, s5;
	[dreg:$0x0] =	wrdreg $0x0  }
0xa8: {  	s5 =	sshll.u32 s28, $0x1;
	[dreg:$0x2] =	wrdreg s3  }
0xa9: {  	[dreg:$0x3] =	wrdreg s5  }
0xaa: {  	[dreg:$0x4] =	wrdreg $0xC0  }
0xab: {  	_ =	task [dreg:s7], $0x5FFFF  }
0xac: {  	[dreg:$0x1] =	wrdreg $0xFFFFFFFF  }
0xad: {  	[dreg:$0x0] =	wrdreg $0x60  }
0xae: {  	[dreg:$0x2] =	wrdreg s24  }
0xaf: {  	[dreg:$0x3] =	wrdreg s2  }
0xb0: {  	[dreg:$0x4] =	wrdreg $0xA0000  }
0xb1: {  	[dreg:$0x5] =	wrdreg $0x9  }
0xb2: {  	_ =	task.clear_ibuf [dreg:s7], $0x6FFFF;
	_ =	strace $0x90000046  }
0xb3: {  	s29 =	simm.s32 $0x9;
	_ =	strace $0x80000048  }
0xb4: {  	_ =	swait.ge [sflag:s29], $0x1  }
0xb5: {  	[sflag:s29] =	ssyncadd.s32 $0xFFFFFFFF  }
0xb6: {  	_ =	strace $0x90000048  }
0xb7: {  	_ =	sfence  }
0xb8: {  	s30 =	sld [smem:$0x0];
	_ =	sdelay $0x2  }
0xb9: {  	s31 =	sshll.u32 s1, $0xD;
	s1 =	sshrl.u32 s1, $0x2  }
0xba: {  	s3 =	sand.u32 $0x4000, s31;
	s1 =	sadd.s32 s1, s30  }
0xbb: {  	s0 =	sor.u32 s3, s0;
	s1 =	sshll.u32 s1, $0x11  }
0xbc: {  	s0 =	sor.u32 s1, s0  }
0xbd: {  	s0 =	sadd.s32 $0x8F2B, s0  }
0xbe: {  	[sflag:s0] =	ssyncadd.remote.s32 $0x1  }
0xbf: {  	_ =	sfence.sel $0xFFFF  }
0xc0: {  	[dreg:$0x0] =	wrdreg $0xFFFFFFFF;
	(pc) =	sbr.abs _section_cstart, $3  }
0xc1: {  	[dreg:$0x1] =	wrdreg $0xFFFFFFFF  }
0xc2: {  	_ =	task.clear_ibuf [dreg:s7], $0x2FFFF;
	_ =	strace $0x9FFFFFFF  }
0xc3: {  	(tm) =	ssettm $0x7FFFFFFF  }
tec
execute0_lowered:
.L_overlay_start_1:
0x0: {  	(tag) =	ssettag $0x1  }
0x1: {  	s0 =	srdreg.scid  }
0x2: {  	s20 =	stileid.u32;
	s5 =	rddreg [dreg:$0x0];
	s1 =	simm.s32 $0x0  }
0x3: {  	s2 =	sand.u32 $0x1, s0;
	s23 =	sshll.u32 s20, $0x1;
	s3 =	sor.u32 $0x10, s20  }
0x4: {  	[smem:$0x7FF] =	sst s1;
	s8 =	sadd.s32 $0x11C800, s5;
	s7 =	smul.u32 $0xA000, s3  }
0x5: {  	s11 =	sor.u32 $0x20, s20;
	s12 =	sor.u32 $0x30, s20;
	s9 =	smul.u32 $0x138800, s2  }
0x6: {  	s0 =	sor.u32 s2, s23;
	s24 =	ssub.s32 $0x2, s2;
	s2 =	smul.u32 $0x2800, s20  }
0x7: {  	s14 =	sor.u32 $0x40, s20;
	s15 =	sor.u32 $0x50, s20;
	s3 =	smul.u32 $0x2800, s3  }
0x8: {  	s16 =	sor.u32 $0x60, s20;
	s18 =	sor.u32 $0x70, s20;
	s17 =	smul.u32 $0x2800, s12  }
0x9: {  	p0 =	sgt.u32 s20, $0xC;
	s23 =	smul.u32 $0x2800, s14;
	s4 =	sshrl.u32 s24, $0x1  }
0xa: {  	s6 =	smul.u32 $0x4E2, s0;
	s0 =	ssub.s32 s24, s4;
	s10 =	sadd.s32 s2, s9  }
0xb: {  	s4 =	smul.u32 $0x2800, s11;
	s13 =	sadd.s32 s9, s3;
	s19 =	sadd.s32 s9, s17  }
0xc: {  	s24 =	smul.u32 $0x2800, s15;
	s22 =	sadd.s32 s9, s23;
	s7 =	sshrl.u32 s7, $0x2  }
0xd: {  	s10 =	sshrl.u32 s10, $0x3;
	s25 =	sshrl.u32 s13, $0x3;
	s19 =	sshrl.u32 s19, $0x3  }
0xe: {  	s10 =	sadd.s32 s8, s10;
	s26 =	sadd.s32 s9, s4;
	s21 =	sadd.s32 s8, s19  }
0xf: {  	[dreg:$0x4] =	wrdreg s10;
	s13 =	sshrl.u32 s26, $0x3;
	s10 =	sadd.s32 s8, s25  }
0x10: {  	[dreg:$0x7] =	wrdreg s21;
	s26 =	sadd.s32 s9, s24;
	s25 =	smul.u32 $0x2800, s16  }
0x11: {  	[dreg:$0x5] =	wrdreg s10;
	s13 =	sadd.s32 s8, s13;
	s10 =	sshrl.u32 s22, $0x3  }
0x12: {  	s22 =	smul.u32 $0xA000, s20;
	[dreg:$0x6] =	wrdreg s13;
	s13 =	sshrl.u32 s26, $0x3  }
0x13: {  	s26 =	smul.u32 $0x2800, s18;
	s10 =	sadd.s32 s8, s10;
	s19 =	sadd.s32 s9, s25  }
0x14: {  	[dreg:$0x8] =	wrdreg s10;
	s10 =	sshrl.u32 s19, $0x3;
	s19 =	smul.u32 $0xA000, s11  }
0x15: {  	s21 =	rddreg [dreg:$0x1];
	s13 =	sadd.s32 s8, s13;
	s11 =	smul.u32 $0xA000, s12  }
0x16: {  	[dreg:$0x9] =	wrdreg s13;
	s9 =	sadd.s32 s9, s26;
	s10 =	sadd.s32 s8, s10  }
0x17: {  	s13 =	sadd.s32 s21, s6;
	s6 =	sadd.s32 s6, s5;
	[dreg:$0xa] =	wrdreg s10  }
0x18: {  	s9 =	sshrl.u32 s9, $0x3;
	s10 =	rddreg [dreg:$0x2];
	s12 =	sshrl.u32 s19, $0x2  }
0x19: {  	s19 =	smul.u32 $0xA000, s16;
	s8 =	sadd.s32 s8, s9;
	s7 =	sadd.s32 s7, s10  }
0x1a: {  	s2 =	sadd.s32 s2, s10;
	s3 =	sadd.s32 s3, s10;
	s4 =	sadd.s32 s4, s10  }
0x1b: {  	s16 =	sadd.s32 s17, s10;
	s17 =	sadd.s32 s23, s10;
	s9 =	sadd.s32 s26, s10  }
0x1c: {  	[dreg:$0xb] =	wrdreg s8;
	s8 =	sshrl.u32 s22, $0x2;
	s22 =	smul.u32 $0xA000, s14  }
0x1d: {  	s23 =	smax.u32 s0, $0x1;
	s0 =	simm.s32 $0x4;
	s14 =	smul.u32 $0xA000, s15  }
0x1e: {  	s15 =	sadd.s32 s12, s10;
	s26 =	sshrl.u32 s4, $0x3;
	s28 =	sshrl.u32 s16, $0x3  }
0x1f: {  	s29 =	sshrl.u32 s17, $0x3;
	_ =	strace $0x80000047;
	[dreg:$0xc] =	wrdreg s13  }
0x20: {  	s4 =	simm.s32 $0x2710;
	s13 =	sadd.s32 $0x1200, s5;
	[dreg:$0xe] =	wrdreg s7  }
0x21: {  	s21 =	sadd.s32 s8, s10;
	[dreg:$0xf] =	wrdreg s15;
	s7 =	simm.s32 $0x7800  }
0x22: {  	[dreg:$0xd] =	wrdreg s21;
	s21 =	sshrl.u32 s11, $0x2;
	s5 =	sshrl.u32 s22, $0x2  }
0x23: {  	s22 =	smul.u32 $0xA000, s18;
	s12 =	sshrl.u32 s14, $0x2;
	s14 =	sshrl.u32 s19, $0x2  }
0x24: {  	s18 =	sadd.s32 s24, s10;
	s19 =	sadd.s32 s25, s10;
	s24 =	sshrl.u32 s2, $0x3  }
0x25: {  	s25 =	sshrl.u32 s3, $0x3;
	s2 =	simm.s32 $0x2800;
	s3 =	simm.s32 $0x50  }
0x26: {  	s11 =	simm.s32 $0x1;
	s8 =	sadd.s32 s21, s10;
	s5 =	sadd.s32 s5, s10  }
0x27: {  	s30 =	sshrl.u32 s18, $0x3;
	s31 =	sshrl.u32 s19, $0x3;
	[dreg:$0x10] =	wrdreg s8  }
0x28: {  	[dreg:$0x11] =	wrdreg s5;
	s5 =	sadd.s32 s12, s10;
	s15 =	sshrl.u32 s22, $0x2  }
0x29: {  	s22 =	sadd.s32 $0x112A00, s6;
	s8 =	sshrl.u32 @!p0 s9, $0x3;
	s6 =	simm.s32 $0x2760  }
0x2a: {  	s9 =	simm.s32 $0x27B0;
	s12 =	simm.s32 $0x2;
	[dreg:$0x12] =	wrdreg s5  }
0x2b: {  	s5 =	sadd.s32 s14, s10;
	s21 =	sadd.s32 s15, s10;
	s14 =	simm.s32 $0x3  }
0x2c: {  	v0 =	vimm.f32 $0.0e+00;
	s15 =	simm.s32 $0x0;
	[dreg:$0x13] =	wrdreg s5;
	s5 =	simm.s32 $0x5000  }
.LBB2_1:
0x2d: {  	s16 =	rddreg [dreg:$0xc]  }
0x2e: {  	[tilespmem:s1], [sflag:$0x4] =	stream.linear.gather [hbm4b:s16+s1], $0x2710, $0x38;
	[tilespmem:$0x1D880] =	vst v63  }
0x2f: {  	_ =	swait.ge [sflag:s0], $0x2710  }
0x30: {  	[sflag:s0] =	ssyncset.done $0x0  }
0x31: {  	s17 =	simm.s32 $0x200;
	s16 =	simm.s32 $0x0;
	[sflag:s0] =	ssyncadd.s32 $0xFFFFD8F0  }
.LBB2_2:
0x32: {  	p1 =	sne.s32 s17, $0x9E00;
	[tilespmem:s16+$0x2870] =	vst v0  }
0x33: {  	[tilespmem:s16+$0x2800] =	vst v0  }
0x34: {  	[tilespmem:s16+$0x2810] =	vst v0  }
.Ltmp0:
0x35: {  	[tilespmem:s16+$0x2820] =	vst v0;
	(pc) =	sbr.rel @p1 .LBB2_2-.Ltmp0, $4  }
0x36: {  	[tilespmem:s16+$0x2830] =	vst v0  }
0x37: {  	[tilespmem:s16+$0x2840] =	vst v0  }
0x38: {  	[tilespmem:s16+$0x2850] =	vst v0  }
0x39: {  	[tilespmem:s16+$0x2860] =	vst v0;
	s16 =	sshra.s32 s17, $0x2;
	s17 =	sadd.s32 $0x200, s17  }
0x3a: {  	[tilespmem:s16+$0x2870] =	vst v0  }
0x3b: {  	[tilespmem:s16+$0x2800] =	vst v0  }
0x3c: {  	[tilespmem:s16+$0x2810] =	vst v0  }
0x3d: {  	[tilespmem:s16+$0x2820] =	vst v0  }
0x3e: {  	[tilespmem:s16+$0x2830] =	vst v0  }
0x3f: {  	[tilespmem:s16+$0x2840] =	vst v0  }
0x40: {  	[tilespmem:s16+$0x2850] =	vst v0  }
0x41: {  	[tilespmem:s16+$0x2860] =	vst v0;
	s20 =	rddreg [dreg:$0xd]  }
0x42: {  	[spmem:s20] =	stream.linear.scatter [tilespmem:s2], [sflag:$0x4], $0x2800, $0x38;
	[tilespmem:$0x1D880] =	vst v63  }
0x43: {  	_ =	swait.ge [sflag:s0], $0x2800  }
0x44: {  	[sflag:s0] =	ssyncset.done $0x0  }
0x45: {  	s17 =	rddreg [dreg:$0xe];
	[sflag:s0] =	ssyncadd.s32 $0xFFFFD800  }
0x46: {  	[spmem:s17] =	stream.linear.scatter [tilespmem:s2], [sflag:$0x4], $0x2800, $0x38;
	[tilespmem:$0x1D880] =	vst v63  }
0x47: {  	_ =	swait.ge [sflag:s0], $0x2800  }
0x48: {  	[sflag:s0] =	ssyncset.done $0x0  }
0x49: {  	s18 =	rddreg [dreg:$0xf];
	[sflag:s0] =	ssyncadd.s32 $0xFFFFD800  }
0x4a: {  	[spmem:s18] =	stream.linear.scatter [tilespmem:s2], [sflag:$0x4], $0x2800, $0x38;
	[tilespmem:$0x1D880] =	vst v63  }
0x4b: {  	_ =	swait.ge [sflag:s0], $0x2800  }
0x4c: {  	[sflag:s0] =	ssyncset.done $0x0  }
0x4d: {  	s19 =	rddreg [dreg:$0x10];
	[sflag:s0] =	ssyncadd.s32 $0xFFFFD800  }
0x4e: {  	[spmem:s19] =	stream.linear.scatter [tilespmem:s2], [sflag:$0x4], $0x2800, $0x38;
	[tilespmem:$0x1D880] =	vst v63  }
0x4f: {  	_ =	swait.ge [sflag:s0], $0x2800  }
0x50: {  	[sflag:s0] =	ssyncset.done $0x0  }
0x51: {  	s20 =	rddreg [dreg:$0x11];
	[sflag:s0] =	ssyncadd.s32 $0xFFFFD800  }
0x52: {  	[spmem:s20] =	stream.linear.scatter [tilespmem:s2], [sflag:$0x4], $0x2800, $0x38;
	[tilespmem:$0x1D880] =	vst v63  }
0x53: {  	_ =	swait.ge [sflag:s0], $0x2800  }
0x54: {  	[sflag:s0] =	ssyncset.done $0x0  }
0x55: {  	s17 =	rddreg [dreg:$0x12];
	[sflag:s0] =	ssyncadd.s32 $0xFFFFD800  }
0x56: {  	[spmem:s17] =	stream.linear.scatter [tilespmem:s2], [sflag:$0x4], $0x2800, $0x38;
	[tilespmem:$0x1D880] =	vst v63  }
0x57: {  	_ =	swait.ge [sflag:s0], $0x2800  }
0x58: {  	[sflag:s0] =	ssyncset.done $0x0  }
0x59: {  	s18 =	rddreg [dreg:$0x13];
	[sflag:s0] =	ssyncadd.s32 $0xFFFFD800  }
0x5a: {  	[spmem:s18] =	stream.linear.scatter [tilespmem:s2], [sflag:$0x4], $0x2800, $0x38;
	[tilespmem:$0x1D880] =	vst v63  }
0x5b: {  	_ =	swait.ge [sflag:s0], $0x2800  }
0x5c: {  	[sflag:s0] =	ssyncset.done $0x0  }
0x5d: {  	s16 =	simm.s32 @!p0 $0x2800;
	[sflag:s0] =	ssyncadd.s32 $0xFFFFD800  }
0x5e: {  	[spmem:s21] =	stream.linear.scatter @!p0 [tilespmem:s16], [sflag:$0x4], $0x2800, $0x38;
	[tilespmem:$0x1D880] =	vst v63  }
0x5f: {  	s16 =	simm.s32 @!p0 $0x4  }
0x60: {  	_ =	swait.ge @!p0 [sflag:s16], $0x2800  }
0x61: {  	[sflag:s16] =	ssyncset.done @!p0 $0x0  }
0x62: {  	[sflag:s16] =	ssyncadd.s32 @!p0 $0xFFFFD800  }
0x63: {  	s19 =	simm.s32 $0x0;
	[bflag:$0x0] =	sbarrier.arrive $0xFFFF  }
0x64: {  	[tilespmem:s2], [sflag:$0x1] =	stream.indirect.gather [hbm4b:s13+s3], $0x80, s19, s3, $0xb8;
	[tilespmem:$0x1D880] =	vst v63  }
0x65: {  	_ = 	snop  }
0x66: {  	[tilespmem:s4], [sflag:$0x1] =	stream.linear.gather [hbm4b:s22+s19], $0x50, $0x38;
	[tilespmem:$0x1D880] =	vst v63  }
0x67: {  	_ = 	snop  }
0x68: {  	[tilespmem:s5], [sflag:$0x2] =	stream.indirect.gather [hbm4b:s13+s3], $0x80, s3, s3, $0xb8;
	[tilespmem:$0x1D880] =	vst v63  }
0x69: {  	s17 =	sadd.s32 $0xA, s22  }
0x6a: {  	[tilespmem:s6], [sflag:$0x2] =	stream.linear.gather [hbm4b:s17+s19], $0x50, $0x38;
	[tilespmem:$0x1D880] =	vst v63  }
0x6b: {  	s20 =	simm.s32 $0xA0  }
0x6c: {  	[tilespmem:s7], [sflag:$0x3] =	stream.indirect.gather [hbm4b:s13+s3], $0x80, s20, s3, $0xb8;
	[tilespmem:$0x1D880] =	vst v63  }
0x6d: {  	s18 =	sadd.s32 $0x14, s22  }
0x6e: {  	[tilespmem:s9], [sflag:$0x3] =	stream.linear.gather [hbm4b:s18+s19], $0x50, $0x38;
	[tilespmem:$0x1D880] =	vst v63  }
0x6f: {  	_ =	swait.ge [sflag:s11], $0x2800  }
0x70: {  	[sflag:s11] =	ssyncset.done $0x0  }
0x71: {  	[sflag:s11] =	ssyncadd.s32 $0xFFFFD800  }
0x72: {  	_ =	swait.ge [sflag:s11], $0x50  }
0x73: {  	[sflag:s11] =	ssyncset.done $0x0  }
0x74: {  	[sflag:s11] =	ssyncadd.s32 $0xFFFFFFB0  }
0x75: {  	[spmem:s10] =	stream.indirect.scatter.add.f32 [tilespmem:s2], [sflag:$0x4], $0x80, s4, s3, $0xb8;
	[tilespmem:$0x1D880] =	vst v63  }
0x76: {  	_ =	swait.ge [sflag:s0], $0x2800  }
0x77: {  	[sflag:s0] =	ssyncset.done $0x0  }
0x78: {  	s16 =	sadd.s32 $0x32, s22;
	s19 =	simm.s32 $0xF0;
	[sflag:s0] =	ssyncadd.s32 $0xFFFFD800  }
0x79: {  	[tilespmem:s2], [sflag:$0x1] =	stream.indirect.gather [hbm4b:s13+s3], $0x80, s19, s3, $0xb8;
	[tilespmem:$0x1D880] =	vst v63  }
0x7a: {  	s20 =	sadd.s32 $0xFFFFFFEC, s16  }
0x7b: {  	[tilespmem:s4], [sflag:$0x1] =	stream.linear.gather [hbm4b:s20+s1], $0x50, $0x38;
	[tilespmem:$0x1D880] =	vst v63  }
0x7c: {  	_ =	swait.ge [sflag:s12], $0x2800  }
0x7d: {  	[sflag:s12] =	ssyncset.done $0x0  }
0x7e: {  	[sflag:s12] =	ssyncadd.s32 $0xFFFFD800  }
0x7f: {  	_ =	swait.ge [sflag:s12], $0x50  }
0x80: {  	[sflag:s12] =	ssyncset.done $0x0  }
0x81: {  	[sflag:s12] =	ssyncadd.s32 $0xFFFFFFB0  }
0x82: {  	[spmem:s10] =	stream.indirect.scatter.add.f32 [tilespmem:s5], [sflag:$0x4], $0x80, s6, s3, $0xb8;
	[tilespmem:$0x1D880] =	vst v63  }
0x83: {  	_ =	swait.ge [sflag:s0], $0x2800  }
0x84: {  	[sflag:s0] =	ssyncset.done $0x0  }
0x85: {  	s18 =	simm.s32 $0x140;
	[sflag:s0] =	ssyncadd.s32 $0xFFFFD800  }
0x86: {  	[tilespmem:s5], [sflag:$0x2] =	stream.indirect.gather [hbm4b:s13+s3], $0x80, s18, s3, $0xb8;
	[tilespmem:$0x1D880] =	vst v63  }
0x87: {  	s19 =	sadd.s32 $0xFFFFFFF6, s16  }
0x88: {  	[tilespmem:s6], [sflag:$0x2] =	stream.linear.gather [hbm4b:s19+s1], $0x50, $0x38;
	[tilespmem:$0x1D880] =	vst v63  }
0x89: {  	_ =	swait.ge [sflag:s14], $0x2800  }
0x8a: {  	[sflag:s14] =	ssyncset.done $0x0  }
0x8b: {  	[sflag:s14] =	ssyncadd.s32 $0xFFFFD800  }
0x8c: {  	_ =	swait.ge [sflag:s14], $0x50  }
0x8d: {  	[sflag:s14] =	ssyncset.done $0x0  }
0x8e: {  	[sflag:s14] =	ssyncadd.s32 $0xFFFFFFB0  }
0x8f: {  	[spmem:s10] =	stream.indirect.scatter.add.f32 [tilespmem:s7], [sflag:$0x4], $0x80, s9, s3, $0xb8;
	[tilespmem:$0x1D880] =	vst v63  }
0x90: {  	_ =	swait.ge [sflag:s0], $0x2800  }
0x91: {  	s17 =	simm.s32 $0x3C0;
	[sflag:s0] =	ssyncset.done $0x0  }
0x92: {  	s20 =	simm.s32 $0x190;
	s18 =	sadd.s32 $0x1E, s16;
	[sflag:s0] =	ssyncadd.s32 $0xFFFFD800  }
0x93: {  	[tilespmem:s7], [sflag:$0x3] =	stream.indirect.gather [hbm4b:s13+s3], $0x80, s20, s3, $0xb8;
	[tilespmem:$0x1D880] =	vst v63  }
.LBB2_4:
0x94: {  	[tilespmem:s9], [sflag:$0x3] =	stream.linear.gather [hbm4b:s16+s1], $0x50, $0x38;
	[tilespmem:$0x1D880] =	vst v63  }
0x95: {  	s19 =	smov.u32 s17;
	s16 =	smov.u32 s18  }
0x96: {  	p1 =	sne.s32 s17, $0x9240;
	s17 =	sadd.s32 $0x3C0, s17;
	_ =	swait.ge [sflag:s11], $0x2800  }
0x97: {  	[sflag:s11] =	ssyncset.done $0x0  }
0x98: {  	[sflag:s11] =	ssyncadd.s32 $0xFFFFD800  }
0x99: {  	_ =	swait.ge [sflag:s11], $0x50  }
0x9a: {  	[sflag:s11] =	ssyncset.done $0x0  }
0x9b: {  	[sflag:s11] =	ssyncadd.s32 $0xFFFFFFB0  }
0x9c: {  	[spmem:s10] =	stream.indirect.scatter.add.f32 [tilespmem:s2], [sflag:$0x4], $0x80, s4, s3, $0xb8;
	[tilespmem:$0x1D880] =	vst v63  }
0x9d: {  	_ =	swait.ge [sflag:s0], $0x2800  }
0x9e: {  	s19 =	sshra.s32 s19, $0x2;
	[sflag:s0] =	ssyncset.done $0x0  }
0x9f: {  	s20 =	sadd.s32 $0xF0, s19;
	[sflag:s0] =	ssyncadd.s32 $0xFFFFD800  }
0xa0: {  	[tilespmem:s2], [sflag:$0x1] =	stream.indirect.gather [hbm4b:s13+s3], $0x80, s20, s3, $0xb8;
	[tilespmem:$0x1D880] =	vst v63  }
0xa1: {  	s20 =	sadd.s32 $0xFFFFFFEC, s18  }
0xa2: {  	[tilespmem:s4], [sflag:$0x1] =	stream.linear.gather [hbm4b:s20+s1], $0x50, $0x38;
	[tilespmem:$0x1D880] =	vst v63  }
0xa3: {  	_ =	swait.ge [sflag:s12], $0x2800  }
0xa4: {  	[sflag:s12] =	ssyncset.done $0x0  }
0xa5: {  	[sflag:s12] =	ssyncadd.s32 $0xFFFFD800  }
0xa6: {  	_ =	swait.ge [sflag:s12], $0x50  }
0xa7: {  	[sflag:s12] =	ssyncset.done $0x0  }
0xa8: {  	[sflag:s12] =	ssyncadd.s32 $0xFFFFFFB0  }
0xa9: {  	[spmem:s10] =	stream.indirect.scatter.add.f32 [tilespmem:s5], [sflag:$0x4], $0x80, s6, s3, $0xb8;
	[tilespmem:$0x1D880] =	vst v63  }
0xaa: {  	_ =	swait.ge [sflag:s0], $0x2800  }
0xab: {  	[sflag:s0] =	ssyncset.done $0x0  }
0xac: {  	s20 =	sadd.s32 $0x140, s19;
	[sflag:s0] =	ssyncadd.s32 $0xFFFFD800  }
0xad: {  	[tilespmem:s5], [sflag:$0x2] =	stream.indirect.gather [hbm4b:s13+s3], $0x80, s20, s3, $0xb8;
	[tilespmem:$0x1D880] =	vst v63  }
0xae: {  	s20 =	sadd.s32 $0xFFFFFFF6, s18  }
0xaf: {  	[tilespmem:s6], [sflag:$0x2] =	stream.linear.gather [hbm4b:s20+s1], $0x50, $0x38;
	[tilespmem:$0x1D880] =	vst v63  }
0xb0: {  	_ =	swait.ge [sflag:s14], $0x2800  }
0xb1: {  	[sflag:s14] =	ssyncset.done $0x0  }
0xb2: {  	[sflag:s14] =	ssyncadd.s32 $0xFFFFD800  }
0xb3: {  	_ =	swait.ge [sflag:s14], $0x50  }
0xb4: {  	[sflag:s14] =	ssyncset.done $0x0  }
0xb5: {  	[sflag:s14] =	ssyncadd.s32 $0xFFFFFFB0  }
0xb6: {  	[spmem:s10] =	stream.indirect.scatter.add.f32 [tilespmem:s7], [sflag:$0x4], $0x80, s9, s3, $0xb8;
	[tilespmem:$0x1D880] =	vst v63  }
.Ltmp1:
0xb7: {  	_ =	swait.ge [sflag:s0], $0x2800;
	(pc) =	sbr.rel @p1 .LBB2_4-.Ltmp1, $4  }
0xb8: {  	[sflag:s0] =	ssyncset.done $0x0  }
0xb9: {  	s19 =	sadd.s32 $0x190, s19;
	[sflag:s0] =	ssyncadd.s32 $0xFFFFD800  }
0xba: {  	[tilespmem:s7], [sflag:$0x3] =	stream.indirect.gather [hbm4b:s13+s3], $0x80, s19, s3, $0xb8;
	[tilespmem:$0x1D880] =	vst v63  }
0xbb: {  	s18 =	sadd.s32 $0x1E, s18  }
0xbc: {  	[tilespmem:s9], [sflag:$0x3] =	stream.linear.gather [hbm4b:s16+s1], $0x50, $0x38;
	[tilespmem:$0x1D880] =	vst v63  }
0xbd: {  	_ =	swait.ge [sflag:s11], $0x2800  }
0xbe: {  	[sflag:s11] =	ssyncset.done $0x0  }
0xbf: {  	[sflag:s11] =	ssyncadd.s32 $0xFFFFD800  }
0xc0: {  	_ =	swait.ge [sflag:s11], $0x50  }
0xc1: {  	[sflag:s11] =	ssyncset.done $0x0  }
0xc2: {  	[sflag:s11] =	ssyncadd.s32 $0xFFFFFFB0  }
0xc3: {  	[spmem:s10] =	stream.indirect.scatter.add.f32 [tilespmem:s2], [sflag:$0x4], $0x80, s4, s3, $0xb8;
	[tilespmem:$0x1D880] =	vst v63  }
0xc4: {  	_ =	swait.ge [sflag:s0], $0x2800  }
0xc5: {  	[sflag:s0] =	ssyncset.done $0x0  }
0xc6: {  	s17 =	simm.s32 $0x2670;
	[sflag:s0] =	ssyncadd.s32 $0xFFFFD800  }
0xc7: {  	[tilespmem:s2], [sflag:$0x1] =	stream.indirect.gather [hbm4b:s13+s3], $0x80, s17, s3, $0xb8;
	[tilespmem:$0x1D880] =	vst v63  }
0xc8: {  	s18 =	sadd.s32 $0x4CE, s22  }
0xc9: {  	[tilespmem:s4], [sflag:$0x1] =	stream.linear.gather [hbm4b:s18+s1], $0x50, $0x38;
	[tilespmem:$0x1D880] =	vst v63  }
0xca: {  	_ =	swait.ge [sflag:s12], $0x2800  }
0xcb: {  	[sflag:s12] =	ssyncset.done $0x0  }
0xcc: {  	[sflag:s12] =	ssyncadd.s32 $0xFFFFD800  }
0xcd: {  	_ =	swait.ge [sflag:s12], $0x50  }
0xce: {  	[sflag:s12] =	ssyncset.done $0x0  }
0xcf: {  	[sflag:s12] =	ssyncadd.s32 $0xFFFFFFB0  }
0xd0: {  	[spmem:s10] =	stream.indirect.scatter.add.f32 [tilespmem:s5], [sflag:$0x4], $0x80, s6, s3, $0xb8;
	[tilespmem:$0x1D880] =	vst v63  }
0xd1: {  	_ =	swait.ge [sflag:s0], $0x2800  }
0xd2: {  	[sflag:s0] =	ssyncset.done $0x0  }
0xd3: {  	s19 =	simm.s32 $0x26C0;
	[sflag:s0] =	ssyncadd.s32 $0xFFFFD800  }
0xd4: {  	[tilespmem:s5], [sflag:$0x2] =	stream.indirect.gather [hbm4b:s13+s3], $0x80, s19, s3, $0xb8;
	[tilespmem:$0x1D880] =	vst v63  }
0xd5: {  	s20 =	sadd.s32 $0x4D8, s22  }
0xd6: {  	[tilespmem:s6], [sflag:$0x2] =	stream.linear.gather [hbm4b:s20+s1], $0x50, $0x38;
	[tilespmem:$0x1D880] =	vst v63  }
0xd7: {  	_ =	swait.ge [sflag:s14], $0x2800  }
0xd8: {  	[sflag:s14] =	ssyncset.done $0x0  }
0xd9: {  	[sflag:s14] =	ssyncadd.s32 $0xFFFFD800  }
0xda: {  	_ =	swait.ge [sflag:s14], $0x50  }
0xdb: {  	[sflag:s14] =	ssyncset.done $0x0  }
0xdc: {  	[sflag:s14] =	ssyncadd.s32 $0xFFFFFFB0  }
0xdd: {  	[spmem:s10] =	stream.indirect.scatter.add.f32 [tilespmem:s7], [sflag:$0x4], $0x80, s9, s3, $0xb8;
	[tilespmem:$0x1D880] =	vst v63  }
0xde: {  	_ =	swait.ge [sflag:s0], $0x2800  }
0xdf: {  	[sflag:s0] =	ssyncset.done $0x0  }
0xe0: {  	[sflag:s0] =	ssyncadd.s32 $0xFFFFD800  }
0xe1: {  	_ =	swait.ge [sflag:s11], $0x2800  }
0xe2: {  	[sflag:s11] =	ssyncset.done $0x0  }
0xe3: {  	[sflag:s11] =	ssyncadd.s32 $0xFFFFD800  }
0xe4: {  	_ =	swait.ge [sflag:s11], $0x50  }
0xe5: {  	[sflag:s11] =	ssyncset.done $0x0  }
0xe6: {  	[sflag:s11] =	ssyncadd.s32 $0xFFFFFFB0  }
0xe7: {  	[spmem:s10] =	stream.indirect.scatter.add.f32 [tilespmem:s2], [sflag:$0x4], $0x80, s4, s3, $0xb8;
	[tilespmem:$0x1D880] =	vst v63  }
0xe8: {  	_ =	swait.ge [sflag:s0], $0x2800  }
0xe9: {  	[sflag:s0] =	ssyncset.done $0x0  }
0xea: {  	[sflag:s0] =	ssyncadd.s32 $0xFFFFD800  }
0xeb: {  	_ =	swait.ge [sflag:s12], $0x2800  }
0xec: {  	[sflag:s12] =	ssyncset.done $0x0  }
0xed: {  	[sflag:s12] =	ssyncadd.s32 $0xFFFFD800  }
0xee: {  	_ =	swait.ge [sflag:s12], $0x50  }
0xef: {  	[sflag:s12] =	ssyncset.done $0x0  }
0xf0: {  	[sflag:s12] =	ssyncadd.s32 $0xFFFFFFB0  }
0xf1: {  	[spmem:s10] =	stream.indirect.scatter.add.f32 [tilespmem:s5], [sflag:$0x4], $0x80, s6, s3, $0xb8;
	[tilespmem:$0x1D880] =	vst v63  }
0xf2: {  	_ =	swait.ge [sflag:s0], $0x2800  }
0xf3: {  	[sflag:s0] =	ssyncset.done $0x0  }
0xf4: {  	s17 =	stileid.u32;
	[sflag:s0] =	ssyncadd.s32 $0xFFFFD800  }
0xf5: {  	s16 =	sshll.u32 s17, $0x6;
	[bflag:$0x0] =	sbarrier.arrive $0xFFFF  }
0xf6: {  	s16 =	sor.u32 $0x1C04, s16;
	s17 =	rddreg [dreg:$0x4]  }
0xf7: {  	[hbm:s17], [sflag:s16] =	dma.local [spmem:s24], $0x500  }
0xf8: {  	_ =	swait.ge [sflag:s0], $0x500  }
0xf9: {  	[sflag:s0] =	ssyncset.done $0x0  }
0xfa: {  	s18 =	rddreg [dreg:$0x5];
	[sflag:s0] =	ssyncadd.s32 $0xFFFFFB00  }
0xfb: {  	[hbm:s18], [sflag:s16] =	dma.local [spmem:s25], $0x500  }
0xfc: {  	_ =	swait.ge [sflag:s0], $0x500  }
0xfd: {  	[sflag:s0] =	ssyncset.done $0x0  }
0xfe: {  	s19 =	rddreg [dreg:$0x6];
	[sflag:s0] =	ssyncadd.s32 $0xFFFFFB00  }
0xff: {  	[hbm:s19], [sflag:s16] =	dma.local [spmem:s26], $0x500  }
0x100: {  	_ =	swait.ge [sflag:s0], $0x500  }
0x101: {  	[sflag:s0] =	ssyncset.done $0x0  }
0x102: {  	s20 =	rddreg [dreg:$0x7];
	[sflag:s0] =	ssyncadd.s32 $0xFFFFFB00  }
0x103: {  	[hbm:s20], [sflag:s16] =	dma.local [spmem:s28], $0x500  }
0x104: {  	_ =	swait.ge [sflag:s0], $0x500  }
0x105: {  	[sflag:s0] =	ssyncset.done $0x0  }
0x106: {  	s18 =	rddreg [dreg:$0x8];
	[sflag:s0] =	ssyncadd.s32 $0xFFFFFB00  }
0x107: {  	[hbm:s18], [sflag:s16] =	dma.local [spmem:s29], $0x500  }
0x108: {  	_ =	swait.ge [sflag:s0], $0x500  }
0x109: {  	[sflag:s0] =	ssyncset.done $0x0  }
0x10a: {  	s19 =	rddreg [dreg:$0x9];
	[sflag:s0] =	ssyncadd.s32 $0xFFFFFB00  }
0x10b: {  	[hbm:s19], [sflag:s16] =	dma.local [spmem:s30], $0x500  }
0x10c: {  	_ =	swait.ge [sflag:s0], $0x500  }
0x10d: {  	[sflag:s0] =	ssyncset.done $0x0  }
0x10e: {  	s20 =	rddreg [dreg:$0xa];
	[sflag:s0] =	ssyncadd.s32 $0xFFFFFB00  }
0x10f: {  	[hbm:s20], [sflag:s16] =	dma.local [spmem:s31], $0x500  }
0x110: {  	_ =	swait.ge [sflag:s0], $0x500  }
0x111: {  	s15 =	sadd.s32 $0x1, s15;
	[sflag:s0] =	ssyncset.done $0x0  }
0x112: {  	p1 =	sne.s32 s15, s23;
	s17 =	rddreg [dreg:$0xb];
	[sflag:s0] =	ssyncadd.s32 $0xFFFFFB00  }
0x113: {  	[hbm:s17], [sflag:s16] =	dma.local @!p0 [spmem:s8], $0x500  }
.Ltmp2:
0x114: {  	_ = 	snop;
	(pc) =	sbr.rel @p1 .LBB2_1-.Ltmp2, $4  }
0x115: {  	s16 =	simm.s32 @!p0 $0x4  }
0x116: {  	_ =	swait.ge @!p0 [sflag:s16], $0x500  }
0x117: {  	[sflag:s16] =	ssyncset.done @!p0 $0x0  }
0x118: {  	[sflag:s16] =	ssyncadd.s32 @!p0 $0xFFFFFB00  }
0x119: {  	_ =	sfence.sel $0x180000  }
0x11a: {  	[bflag:$0x0] =	sbarrier.arrive $0xFFFF  }
0x11b: {  	_ =	strace $0x90000047  }
0x11c: {  	s0 =	stileid.u32;
	[bflag:$0x2] =	sbarrier.arrive $0xFFFF  }
0x11d: {  	p0 =	sne.s32 s0, $0x0;
	s0 =	rddreg [dreg:$0x3]  }
0x11e: {  	s0 =	sadd.s32 @!p0 $0x100000, s0  }
0x11f: {  	[sflag:s0] =	ssyncadd.tile.s32 @!p0 $0x1;
	_ =	shalt  }
.Lfunc_end2:
_tile_overlayer_lowered:
.L_overlay_start_2:
0x120: {  	(tag) =	ssettag $0x2  }
0x121: {  	s0 =	rddreg [dreg:$0x0];
	s2 =	stileid.u32  }
0x122: {  	s1 =	rddreg [dreg:$0x1];
	p0 =	sne.s32 s2, $0x0  }
0x123: {  	s3 =	rddreg [dreg:$0x2];
	[bflag:$0x3] =	sbarrier.arrive $0xFFFF;
	s2 =	simm.s32 @!p0 $0x1C04  }
0x124: {  	[timem:s3], [sflag:s2] =	dma.local @!p0 [hbm:s0], s1  }
0x125: {  	s0 =	simm.s32 @!p0 $0x4  }
0x126: {  	_ =	swait.ge @!p0 [sflag:s0], s1  }
0x127: {  	s1 =	ssub.s32 @!p0 $0x0, s1;
	[sflag:s0] =	ssyncset.done @!p0 $0x0  }
0x128: {  	[sflag:s0] =	ssyncadd.s32 @!p0 s1  }
0x129: {  	[bflag:$0x3] =	sbarrier.arrive $0xFFFF  }
0x12a: {  	_ =	shalt  }

</sc_bundles>
